<compile_context>
chip_gen: v7x
topology: tpu7x:2x2x1
jax: 0.10.2.dev20260603
libtpu: 0.0.44.dev20260713+nightly
codegen_flags: <defaults>
</compile_context>

<pallas_src>
import functools

import jax
import jax.numpy as jnp
from jax import lax
from jax.experimental import pallas as pl
from jax.experimental.pallas import tpu as pltpu
from jax.experimental.pallas import tpu_sc as plsc

NC, NS, L = 1, 16, 16
NW = NC * NS
B = 128
V = 2
N = B * V
D = 128
RPW = N // NW
NJB = N // L
INV_T = 20.0

_mesh = plsc.VectorSubcoreMesh(
    core_axis_name="c", subcore_axis_name="s", num_cores=NC, num_subcores=NS
)


def _simmat_body(f_ref, s_ref):
    for vi in range(V):
        fi = f_ref[:, vi, :]
        for vj in range(V):
            fj = f_ref[:, vj, :]
            blk = lax.dot_general(
                fi, fj, (((1,), (1,)), ((), ())),
                preferred_element_type=jnp.float32)
            s_ref[vi * B:(vi + 1) * B, vj * B:(vj + 1) * B] = blk * INV_T


@functools.partial(
    pl.kernel,
    out_type=jax.ShapeDtypeStruct((NW, L), jnp.float32),
    mesh=_mesh,
    scratch_types=[
        pltpu.VMEM((RPW, N), jnp.float32),
        pltpu.VMEM((B + L,), jnp.int32),
        pltpu.VMEM((L,), jnp.float32),
    ],
    compiler_params=pltpu.CompilerParams(
        needs_layout_passes=False, skip_device_barrier=True),
)
def _sc_rowreduce(s_hbm, lbl_hbm, out_hbm, rows_v, lbl_v, part_v):
    wid = lax.axis_index("s") * NC + lax.axis_index("c")
    base = wid * RPW
    b0 = lax.rem(base, B)
    pltpu.sync_copy(s_hbm.at[pl.ds(base, RPW)], rows_v)
    pltpu.sync_copy(lbl_hbm, lbl_v.at[pl.ds(0, B)])
    myl16 = lbl_v[pl.ds(b0, L)]

    lvs = [lbl_v[pl.ds(k * L, L)] for k in range(NJB // V)]

    def rbody(r, carry):
        esv, dsv, cnt_p = carry
        liv = lax.gather(
            myl16, jnp.full((L, 1), r, jnp.int32),
            lax.GatherDimensionNumbers(
                offset_dims=(), collapsed_slice_dims=(0,),
                start_index_map=(0,)),
            (1,), mode=lax.GatherScatterMode.PROMISE_IN_BOUNDS)
        ms = [lvs[k] != liv for k in range(NJB // V)]
        masked = [
            jnp.where(ms[jb % (NJB // V)], rows_v[r, pl.ds(jb * L, L)], 0.0)
            for jb in range(NJB)
        ]
        mx = masked[0]
        for jb in range(1, NJB):
            mx = jnp.maximum(mx, masked[jb])
        rowmax = jnp.max(mx)
        for jb in range(NJB):
            esv = esv + jnp.exp(masked[jb] - rowmax)
        mc = jnp.zeros((L,), jnp.float32)
        for k in range(NJB // V):
            mc = mc + jnp.where(ms[k], 1.0, 0.0)
        mc = mc + mc
        msum = jnp.sum(mc)
        dsv = dsv + mc
        cnt_p = cnt_p + (msum > 0).astype(jnp.float32)
        return esv, dsv, cnt_p

    esv, dsv, cnt_p = lax.fori_loop(
        0, RPW, rbody,
        (jnp.zeros((L,), jnp.float32), jnp.zeros((L,), jnp.float32),
         jnp.float32(0.0)))

    total_p = jnp.sum(esv)
    dsum_p = jnp.sum(dsv)
    lanes = lax.iota(jnp.int32, L)
    partvec = jnp.where(
        lanes == 0, total_p,
        jnp.where(lanes == 1, dsum_p, jnp.where(lanes == 2, cnt_p, 0.0)))
    part_v[...] = partvec
    pltpu.sync_copy(part_v, out_hbm.at[wid])


def _combine_body(p_ref, o_ref):
    p = p_ref[...]
    tot = jnp.sum(p[:, 0:1])
    dsum = jnp.sum(p[:, 1:2])
    cnt = jnp.sum(p[:, 2:3])
    xpos = tot / jnp.maximum(dsum, 1.0)
    n = jnp.float32(N)
    loss = (cnt * jnp.log(xpos + 1e-6) + (n - cnt) * jnp.log(1e-6)) / n
    o_ref[...] = loss.reshape(1, 1)


def kernel(features, labels):
    simmat = pl.pallas_call(
        _simmat_body,
        out_shape=jax.ShapeDtypeStruct((N, N), jnp.float32),
    )(features)
    partials = _sc_rowreduce(simmat, labels)
    loss = pl.pallas_call(
        _combine_body,
        out_shape=jax.ShapeDtypeStruct((1, 1), jnp.float32),
    )(partials)
    return loss[0, 0]

# --- scband reference (transcript-rebuilt; emitter-appended) ---
"""Pipeline reference for scband-fourdloss-16621523436335 (READ-ONLY COPY).

The authoritative reference and input builder live on the scoring server;
editing this copy changes nothing except your own understanding.
"""

import jax, jax.numpy as jnp
import numpy as np

TEMPERATURE = 0.035
CONTRAST_MODE = 'all'
BASE_TEMPERATURE = 0.07


def setup_inputs(seed: int = 0):
    key = jax.random.key(seed)
    k1, k2 = jax.random.split(key)
    features = jax.random.normal(k1, (128, 2, 128), dtype=jnp.float32)
    labels = jax.random.randint(k2, (128,), 0, 10, dtype=jnp.int32)
    return {"features": features, "labels": labels}


def reference(features, labels):
    batch_size = features.shape[0]
    contrast_count = features.shape[1]
    anchor_count = contrast_count  # contrast_mode == 'all'
    lc = labels.reshape(-1, 1)
    eq = (lc == lc.T)
    # mask from labels
    mask = jnp.tile(eq.astype(jnp.float32), (anchor_count, contrast_count))
    n = batch_size * anchor_count
    logits_mask = 1.0 - jnp.eye(n, dtype=jnp.float32)
    mask = mask * logits_mask
    neq = ~eq
    labels2 = jnp.concatenate([labels, jnp.tile(labels, anchor_count)])

    contrast_feature = jnp.concatenate([features[:, j] for j in range(contrast_count)], axis=0)

    # In the original loop, same_idx (mask3) and neg_idx (mask2) partition all
    # columns, so idx == arange(n) for every row; each iteration with negatives
    # computes the same full-matrix scalars.
    has_neg = jnp.tile(jnp.sum(neq, axis=1) > 0, anchor_count)
    idx_labels = labels2[:n]
    dlm = (idx_labels[:, None] != idx_labels[None, :]).astype(jnp.float32)
    dot = jnp.matmul(contrast_feature, contrast_feature.T) / 0.05
    dot = dot * dlm
    maxdot = jnp.max(dot, axis=1, keepdims=True)
    exp_terms = jnp.exp(dot - maxdot)
    total = jnp.sum(exp_terms)
    dsum = jnp.sum(dlm)
    sums = jnp.where(has_neg, total, jnp.float32(0.0))
    negsums = jnp.where(has_neg, dsum, jnp.float32(0.0))

    x = sums.reshape(-1, 1)
    negtivesum = negsums.reshape(-1, 1)
    negtivesum_full = jnp.repeat(negtivesum, mask.shape[1], axis=1)
    x = jnp.repeat(x, mask.shape[1], axis=1)
    any_nz = jnp.any(negsums != 0)
    x = jnp.where(any_nz, x / negtivesum_full, x)
    log_prob = -jnp.log(x + 1e-06)
    mask_sum = jnp.sum(mask, axis=1)
    mask_sum = jnp.where(mask_sum == 0, jnp.ones_like(mask_sum), mask_sum)
    pos_logits = -jnp.sum(mask * log_prob, axis=1) / jax.lax.stop_gradient(mask_sum)
    loss = jnp.mean(pos_logits.reshape(anchor_count, batch_size))
    return loss

if __name__ == "__main__":
    import jax
    _d = setup_inputs()
    print(jax.jit(kernel)(*tuple(_d.values())))

</pallas_src>

<mosaic_0001>
#map = affine_map<(d0, d1) -> (0, 0)>
#map1 = affine_map<(d0, d1) -> (0)>
module attributes {stable_mosaic.version = 14 : i64} {
  func.func @_sc_rowreduce(%arg0: i32, %arg1: i32, %arg2: memref<256x256xf32, #tpu.memory_space<hbm>>, %arg3: memref<128xi32, #tpu.memory_space<hbm>>, %arg4: memref<16x16xf32, #tpu.memory_space<hbm>>, %arg5: memref<16x256xf32, #tpu.memory_space<vmem>>, %arg6: memref<144xi32, #tpu.memory_space<vmem>>, %arg7: memref<16xf32, #tpu.memory_space<vmem>>) attributes {dimension_semantics = [#tpu.dimension_semantics<core_parallel>, #tpu.dimension_semantics<subcore_parallel>], iteration_bounds = array<i64: 1, 16>, scalar_prefetch = 0 : i64, scratch_operands = 3 : i64, tpu.core_type = #tpu.core_type<sc_vector_subcore>, window_params = [{transform_indices = #map}, {transform_indices = #map1}, {transform_indices = #map}]} {
    %mul3A = arith.constant 1 : i32
    %mul3A_0 = arith.muli %arg1, %mul3A : i32
    %add3A = arith.addi %mul3A_0, %arg0 : i32
    %mul3A_1 = arith.constant 16 : i32
    %mul3A_2 = arith.muli %add3A, %mul3A_1 : i32
    %rem3A = arith.constant 128 : i32
    %rem3A_3 = arith.remsi %mul3A_2, %rem3A : i32
    "tpu.region"() ({
      %run_scoped3A = tpu.sem_alloc : memref<!tpu.dma_semaphore, #tpu.memory_space<semaphore_mem>>
      %dma_start3A = arith.constant 0 : i32
      %dma_start3A_52 = tpu.memref_slice %arg2[%mul3A_2, %dma_start3A] : memref<256x256xf32, #tpu.memory_space<hbm>> -> memref<16x256xf32, #tpu.memory_space<hbm>>
      %dma_start3A_53 = arith.constant 0 : i32
      %dma_start3A_54 = tpu.memref_slice %arg2[%mul3A_2, %dma_start3A_53] : memref<256x256xf32, #tpu.memory_space<hbm>> -> memref<16x256xf32, #tpu.memory_space<hbm>>
      tpu.enqueue_dma source(%dma_start3A_54 : memref<16x256xf32, #tpu.memory_space<hbm>>) target(%arg5 : memref<16x256xf32, #tpu.memory_space<vmem>>) target_semaphore(%run_scoped3A : memref<!tpu.dma_semaphore, #tpu.memory_space<semaphore_mem>>)
      %dma_wait3A = arith.constant 0 : i32
      %dma_wait3A_55 = tpu.memref_slice %arg2[%mul3A_2, %dma_wait3A] : memref<256x256xf32, #tpu.memory_space<hbm>> -> memref<16x256xf32, #tpu.memory_space<hbm>>
      %dma_wait3A_56 = arith.constant 0 : i32
      %dma_wait3A_57 = tpu.memref_slice %arg2[%mul3A_2, %dma_wait3A_56] : memref<256x256xf32, #tpu.memory_space<hbm>> -> memref<16x256xf32, #tpu.memory_space<hbm>>
      tpu.wait_dma2 semaphore(%run_scoped3A : memref<!tpu.dma_semaphore, #tpu.memory_space<semaphore_mem>>) src(%dma_wait3A_57 : memref<16x256xf32, #tpu.memory_space<hbm>>) dst(%arg5 : memref<16x256xf32, #tpu.memory_space<vmem>>)
      tpu.yield
    }) : () -> ()
    "tpu.region"() ({
      %run_scoped3A = tpu.sem_alloc : memref<!tpu.dma_semaphore, #tpu.memory_space<semaphore_mem>>
      %dma_start3A = arith.constant 0 : i32
      %dma_start3A_52 = tpu.memref_slice %arg6[%dma_start3A] : memref<144xi32, #tpu.memory_space<vmem>> -> memref<128xi32, #tpu.memory_space<vmem>>
      %dma_start3A_53 = arith.constant 0 : i32
      %dma_start3A_54 = tpu.memref_slice %arg6[%dma_start3A_53] : memref<144xi32, #tpu.memory_space<vmem>> -> memref<128xi32, #tpu.memory_space<vmem>>
      tpu.enqueue_dma source(%arg3 : memref<128xi32, #tpu.memory_space<hbm>>) target(%dma_start3A_54 : memref<128xi32, #tpu.memory_space<vmem>>) target_semaphore(%run_scoped3A : memref<!tpu.dma_semaphore, #tpu.memory_space<semaphore_mem>>)
      %dma_wait3A = arith.constant 0 : i32
      %dma_wait3A_55 = tpu.memref_slice %arg6[%dma_wait3A] : memref<144xi32, #tpu.memory_space<vmem>> -> memref<128xi32, #tpu.memory_space<vmem>>
      %dma_wait3A_56 = arith.constant 0 : i32
      %dma_wait3A_57 = tpu.memref_slice %arg6[%dma_wait3A_56] : memref<144xi32, #tpu.memory_space<vmem>> -> memref<128xi32, #tpu.memory_space<vmem>>
      tpu.wait_dma2 semaphore(%run_scoped3A : memref<!tpu.dma_semaphore, #tpu.memory_space<semaphore_mem>>) src(%arg3 : memref<128xi32, #tpu.memory_space<hbm>>) dst(%dma_wait3A_57 : memref<128xi32, #tpu.memory_space<vmem>>)
      tpu.yield
    }) : () -> ()
    %get3A = arith.index_cast %rem3A_3 : i32 to index
    %get3A_4 = tpu.vector_load %arg6[%get3A] {strides = array<i32>} : memref<144xi32, #tpu.memory_space<vmem>>, vector<16xi32>,
    %get3A_5 = arith.constant 0 : index
    %get3A_6 = tpu.vector_load %arg6[%get3A_5] {strides = array<i32>} : memref<144xi32, #tpu.memory_space<vmem>>, vector<16xi32>,
    %get3A_7 = arith.constant 16 : index
    %get3A_8 = tpu.vector_load %arg6[%get3A_7] {strides = array<i32>} : memref<144xi32, #tpu.memory_space<vmem>>, vector<16xi32>,
    %get3A_9 = arith.constant 32 : index
    %get3A_10 = tpu.vector_load %arg6[%get3A_9] {strides = array<i32>} : memref<144xi32, #tpu.memory_space<vmem>>, vector<16xi32>,
    %get3A_11 = arith.constant 48 : index
    %get3A_12 = tpu.vector_load %arg6[%get3A_11] {strides = array<i32>} : memref<144xi32, #tpu.memory_space<vmem>>, vector<16xi32>,
    %get3A_13 = arith.constant 64 : index
    %get3A_14 = tpu.vector_load %arg6[%get3A_13] {strides = array<i32>} : memref<144xi32, #tpu.memory_space<vmem>>, vector<16xi32>,
    %get3A_15 = arith.constant 80 : index
    %get3A_16 = tpu.vector_load %arg6[%get3A_15] {strides = array<i32>} : memref<144xi32, #tpu.memory_space<vmem>>, vector<16xi32>,
    %get3A_17 = arith.constant 96 : index
    %get3A_18 = tpu.vector_load %arg6[%get3A_17] {strides = array<i32>} : memref<144xi32, #tpu.memory_space<vmem>>, vector<16xi32>,
    %get3A_19 = arith.constant 112 : index
    %get3A_20 = tpu.vector_load %arg6[%get3A_19] {strides = array<i32>} : memref<144xi32, #tpu.memory_space<vmem>>, vector<16xi32>,
    %broadcast_in_dim3A = arith.constant 0.000000e+00 : f32
    %broadcast_in_dim3A_21 = vector.broadcast %broadcast_in_dim3A : f32 to vector<16xf32>
    %broadcast_in_dim3A_22 = arith.constant 0.000000e+00 : f32
    %broadcast_in_dim3A_23 = vector.broadcast %broadcast_in_dim3A_22 : f32 to vector<16xf32>
    %scan3A = arith.constant 0.000000e+00 : f32
    %scan3A_24 = arith.constant 0 : i32
    %scan3A_25 = arith.constant 16 : i32
    %scan3A_26 = arith.addi %scan3A_24, %scan3A_25 : i32
    %scan3A_27 = arith.constant 1 : i32
    %scan3A_28:3 = scf.for %scan3A_52 = %scan3A_24 to %scan3A_26 step %scan3A_27 iter_args(%scan3A_53 = %broadcast_in_dim3A_21, %scan3A_54 = %broadcast_in_dim3A_23, %scan3A_55 = %scan3A) -> (vector<16xf32>, vector<16xf32>, f32)  : i32 {
      %broadcast_in_dim3A_56 = vector.broadcast %scan3A_52 : i32 to vector<16x1xi32>
      %gather3A = vector.shape_cast %broadcast_in_dim3A_56 : vector<16x1xi32> to vector<16xi32>
      %gather3A_57 = tpu.dynamic_gather %get3A_4[%gather3A] in [0] : vector<16xi32>, vector<16xi32> -> vector<16xi32>
      %ne3A = arith.cmpi ne, %get3A_6, %gather3A_57 : vector<16xi32>
      %ne3A_58 = arith.cmpi ne, %get3A_8, %gather3A_57 : vector<16xi32>
      %ne3A_59 = arith.cmpi ne, %get3A_10, %gather3A_57 : vector<16xi32>
      %ne3A_60 = arith.cmpi ne, %get3A_12, %gather3A_57 : vector<16xi32>
      %ne3A_61 = arith.cmpi ne, %get3A_14, %gather3A_57 : vector<16xi32>
      %ne3A_62 = arith.cmpi ne, %get3A_16, %gather3A_57 : vector<16xi32>
      %ne3A_63 = arith.cmpi ne, %get3A_18, %gather3A_57 : vector<16xi32>
      %ne3A_64 = arith.cmpi ne, %get3A_20, %gather3A_57 : vector<16xi32>
      %get3A_65 = arith.index_cast %scan3A_52 : i32 to index
      %get3A_66 = arith.constant 0 : index
      %get3A_67 = tpu.vector_load %arg5[%get3A_65, %get3A_66] {strides = array<i32>} : memref<16x256xf32, #tpu.memory_space<vmem>>, vector<16xf32>,
      %jit3A_68 = arith.constant 0.000000e+00 : f32
      %broadcast_in_dim3A_69 = vector.broadcast %jit3A_68 : f32 to vector<16xf32>
      %select_n3A_70 = arith.select %ne3A, %get3A_67, %broadcast_in_dim3A_69 : vector<16xi1>, vector<16xf32>
      %get3A_71 = arith.index_cast %scan3A_52 : i32 to index
      %get3A_72 = arith.constant 16 : index
      %get3A_73 = tpu.vector_load %arg5[%get3A_71, %get3A_72] {strides = array<i32>} : memref<16x256xf32, #tpu.memory_space<vmem>>, vector<16xf32>,
      %jit3A_74 = arith.constant 0.000000e+00 : f32
      %broadcast_in_dim3A_75 = vector.broadcast %jit3A_74 : f32 to vector<16xf32>
      %select_n3A_76 = arith.select %ne3A_58, %get3A_73, %broadcast_in_dim3A_75 : vector<16xi1>, vector<16xf32>
      %get3A_77 = arith.index_cast %scan3A_52 : i32 to index
      %get3A_78 = arith.constant 32 : index
      %get3A_79 = tpu.vector_load %arg5[%get3A_77, %get3A_78] {strides = array<i32>} : memref<16x256xf32, #tpu.memory_space<vmem>>, vector<16xf32>,
      %jit3A_80 = arith.constant 0.000000e+00 : f32
      %broadcast_in_dim3A_81 = vector.broadcast %jit3A_80 : f32 to vector<16xf32>
      %select_n3A_82 = arith.select %ne3A_59, %get3A_79, %broadcast_in_dim3A_81 : vector<16xi1>, vector<16xf32>
      %get3A_83 = arith.index_cast %scan3A_52 : i32 to index
      %get3A_84 = arith.constant 48 : index
      %get3A_85 = tpu.vector_load %arg5[%get3A_83, %get3A_84] {strides = array<i32>} : memref<16x256xf32, #tpu.memory_space<vmem>>, vector<16xf32>,
      %jit3A_86 = arith.constant 0.000000e+00 : f32
      %broadcast_in_dim3A_87 = vector.broadcast %jit3A_86 : f32 to vector<16xf32>
      %select_n3A_88 = arith.select %ne3A_60, %get3A_85, %broadcast_in_dim3A_87 : vector<16xi1>, vector<16xf32>
      %get3A_89 = arith.index_cast %scan3A_52 : i32 to index
      %get3A_90 = arith.constant 64 : index
      %get3A_91 = tpu.vector_load %arg5[%get3A_89, %get3A_90] {strides = array<i32>} : memref<16x256xf32, #tpu.memory_space<vmem>>, vector<16xf32>,
      %jit3A_92 = arith.constant 0.000000e+00 : f32
      %broadcast_in_dim3A_93 = vector.broadcast %jit3A_92 : f32 to vector<16xf32>
      %select_n3A_94 = arith.select %ne3A_61, %get3A_91, %broadcast_in_dim3A_93 : vector<16xi1>, vector<16xf32>
      %get3A_95 = arith.index_cast %scan3A_52 : i32 to index
      %get3A_96 = arith.constant 80 : index
      %get3A_97 = tpu.vector_load %arg5[%get3A_95, %get3A_96] {strides = array<i32>} : memref<16x256xf32, #tpu.memory_space<vmem>>, vector<16xf32>,
      %jit3A_98 = arith.constant 0.000000e+00 : f32
      %broadcast_in_dim3A_99 = vector.broadcast %jit3A_98 : f32 to vector<16xf32>
      %select_n3A_100 = arith.select %ne3A_62, %get3A_97, %broadcast_in_dim3A_99 : vector<16xi1>, vector<16xf32>
      %get3A_101 = arith.index_cast %scan3A_52 : i32 to index
      %get3A_102 = arith.constant 96 : index
      %get3A_103 = tpu.vector_load %arg5[%get3A_101, %get3A_102] {strides = array<i32>} : memref<16x256xf32, #tpu.memory_space<vmem>>, vector<16xf32>,
      %jit3A_104 = arith.constant 0.000000e+00 : f32
      %broadcast_in_dim3A_105 = vector.broadcast %jit3A_104 : f32 to vector<16xf32>
      %select_n3A_106 = arith.select %ne3A_63, %get3A_103, %broadcast_in_dim3A_105 : vector<16xi1>, vector<16xf32>
      %get3A_107 = arith.index_cast %scan3A_52 : i32 to index
      %get3A_108 = arith.constant 112 : index
      %get3A_109 = tpu.vector_load %arg5[%get3A_107, %get3A_108] {strides = array<i32>} : memref<16x256xf32, #tpu.memory_space<vmem>>, vector<16xf32>,
      %jit3A_110 = arith.constant 0.000000e+00 : f32
      %broadcast_in_dim3A_111 = vector.broadcast %jit3A_110 : f32 to vector<16xf32>
      %select_n3A_112 = arith.select %ne3A_64, %get3A_109, %broadcast_in_dim3A_111 : vector<16xi1>, vector<16xf32>
      %get3A_113 = arith.index_cast %scan3A_52 : i32 to index
      %get3A_114 = arith.constant 128 : index
      %get3A_115 = tpu.vector_load %arg5[%get3A_113, %get3A_114] {strides = array<i32>} : memref<16x256xf32, #tpu.memory_space<vmem>>, vector<16xf32>,
      %jit3A_116 = arith.constant 0.000000e+00 : f32
      %broadcast_in_dim3A_117 = vector.broadcast %jit3A_116 : f32 to vector<16xf32>
      %select_n3A_118 = arith.select %ne3A, %get3A_115, %broadcast_in_dim3A_117 : vector<16xi1>, vector<16xf32>
      %get3A_119 = arith.index_cast %scan3A_52 : i32 to index
      %get3A_120 = arith.constant 144 : index
      %get3A_121 = tpu.vector_load %arg5[%get3A_119, %get3A_120] {strides = array<i32>} : memref<16x256xf32, #tpu.memory_space<vmem>>, vector<16xf32>,
      %jit3A_122 = arith.constant 0.000000e+00 : f32
      %broadcast_in_dim3A_123 = vector.broadcast %jit3A_122 : f32 to vector<16xf32>
      %select_n3A_124 = arith.select %ne3A_58, %get3A_121, %broadcast_in_dim3A_123 : vector<16xi1>, vector<16xf32>
      %get3A_125 = arith.index_cast %scan3A_52 : i32 to index
      %get3A_126 = arith.constant 160 : index
      %get3A_127 = tpu.vector_load %arg5[%get3A_125, %get3A_126] {strides = array<i32>} : memref<16x256xf32, #tpu.memory_space<vmem>>, vector<16xf32>,
      %jit3A_128 = arith.constant 0.000000e+00 : f32
      %broadcast_in_dim3A_129 = vector.broadcast %jit3A_128 : f32 to vector<16xf32>
      %select_n3A_130 = arith.select %ne3A_59, %get3A_127, %broadcast_in_dim3A_129 : vector<16xi1>, vector<16xf32>
      %get3A_131 = arith.index_cast %scan3A_52 : i32 to index
      %get3A_132 = arith.constant 176 : index
      %get3A_133 = tpu.vector_load %arg5[%get3A_131, %get3A_132] {strides = array<i32>} : memref<16x256xf32, #tpu.memory_space<vmem>>, vector<16xf32>,
      %jit3A_134 = arith.constant 0.000000e+00 : f32
      %broadcast_in_dim3A_135 = vector.broadcast %jit3A_134 : f32 to vector<16xf32>
      %select_n3A_136 = arith.select %ne3A_60, %get3A_133, %broadcast_in_dim3A_135 : vector<16xi1>, vector<16xf32>
      %get3A_137 = arith.index_cast %scan3A_52 : i32 to index
      %get3A_138 = arith.constant 192 : index
      %get3A_139 = tpu.vector_load %arg5[%get3A_137, %get3A_138] {strides = array<i32>} : memref<16x256xf32, #tpu.memory_space<vmem>>, vector<16xf32>,
      %jit3A_140 = arith.constant 0.000000e+00 : f32
      %broadcast_in_dim3A_141 = vector.broadcast %jit3A_140 : f32 to vector<16xf32>
      %select_n3A_142 = arith.select %ne3A_61, %get3A_139, %broadcast_in_dim3A_141 : vector<16xi1>, vector<16xf32>
      %get3A_143 = arith.index_cast %scan3A_52 : i32 to index
      %get3A_144 = arith.constant 208 : index
      %get3A_145 = tpu.vector_load %arg5[%get3A_143, %get3A_144] {strides = array<i32>} : memref<16x256xf32, #tpu.memory_space<vmem>>, vector<16xf32>,
      %jit3A_146 = arith.constant 0.000000e+00 : f32
      %broadcast_in_dim3A_147 = vector.broadcast %jit3A_146 : f32 to vector<16xf32>
      %select_n3A_148 = arith.select %ne3A_62, %get3A_145, %broadcast_in_dim3A_147 : vector<16xi1>, vector<16xf32>
      %get3A_149 = arith.index_cast %scan3A_52 : i32 to index
      %get3A_150 = arith.constant 224 : index
      %get3A_151 = tpu.vector_load %arg5[%get3A_149, %get3A_150] {strides = array<i32>} : memref<16x256xf32, #tpu.memory_space<vmem>>, vector<16xf32>,
      %jit3A_152 = arith.constant 0.000000e+00 : f32
      %broadcast_in_dim3A_153 = vector.broadcast %jit3A_152 : f32 to vector<16xf32>
      %select_n3A_154 = arith.select %ne3A_63, %get3A_151, %broadcast_in_dim3A_153 : vector<16xi1>, vector<16xf32>
      %get3A_155 = arith.index_cast %scan3A_52 : i32 to index
      %get3A_156 = arith.constant 240 : index
      %get3A_157 = tpu.vector_load %arg5[%get3A_155, %get3A_156] {strides = array<i32>} : memref<16x256xf32, #tpu.memory_space<vmem>>, vector<16xf32>,
      %jit3A_158 = arith.constant 0.000000e+00 : f32
      %broadcast_in_dim3A_159 = vector.broadcast %jit3A_158 : f32 to vector<16xf32>
      %select_n3A_160 = arith.select %ne3A_64, %get3A_157, %broadcast_in_dim3A_159 : vector<16xi1>, vector<16xf32>
      %max3A = arith.maximumf %select_n3A_70, %select_n3A_76 : vector<16xf32>
      %max3A_161 = arith.maximumf %max3A, %select_n3A_82 : vector<16xf32>
      %max3A_162 = arith.maximumf %max3A_161, %select_n3A_88 : vector<16xf32>
      %max3A_163 = arith.maximumf %max3A_162, %select_n3A_94 : vector<16xf32>
      %max3A_164 = arith.maximumf %max3A_163, %select_n3A_100 : vector<16xf32>
      %max3A_165 = arith.maximumf %max3A_164, %select_n3A_106 : vector<16xf32>
      %max3A_166 = arith.maximumf %max3A_165, %select_n3A_112 : vector<16xf32>
      %max3A_167 = arith.maximumf %max3A_166, %select_n3A_118 : vector<16xf32>
      %max3A_168 = arith.maximumf %max3A_167, %select_n3A_124 : vector<16xf32>
      %max3A_169 = arith.maximumf %max3A_168, %select_n3A_130 : vector<16xf32>
      %max3A_170 = arith.maximumf %max3A_169, %select_n3A_136 : vector<16xf32>
      %max3A_171 = arith.maximumf %max3A_170, %select_n3A_142 : vector<16xf32>
      %max3A_172 = arith.maximumf %max3A_171, %select_n3A_148 : vector<16xf32>
      %max3A_173 = arith.maximumf %max3A_172, %select_n3A_154 : vector<16xf32>
      %max3A_174 = arith.maximumf %max3A_173, %select_n3A_160 : vector<16xf32>
      %reduce_max3A = arith.constant true
      %reduce_max3A_175 = vector.broadcast %reduce_max3A : i1 to vector<16xi1>
      %reduce_max3A_176 = tpu.scan <max>, %max3A_174 masked %reduce_max3A_175 : vector<16xf32>, vector<16xi1> -> vector<16xf32>
      %reduce_max3A_177 = vector.extract %reduce_max3A_176[15] : f32 from vector<16xf32>
      %sub3A = vector.broadcast %reduce_max3A_177 : f32 to vector<16xf32>
      %sub3A_178 = arith.subf %select_n3A_70, %sub3A : vector<16xf32>
      %exp3A = math.exp %sub3A_178 : vector<16xf32>
      %add3A_179 = arith.addf %scan3A_53, %exp3A : vector<16xf32>
      %sub3A_180 = vector.broadcast %reduce_max3A_177 : f32 to vector<16xf32>
      %sub3A_181 = arith.subf %select_n3A_76, %sub3A_180 : vector<16xf32>
      %exp3A_182 = math.exp %sub3A_181 : vector<16xf32>
      %add3A_183 = arith.addf %add3A_179, %exp3A_182 : vector<16xf32>
      %sub3A_184 = vector.broadcast %reduce_max3A_177 : f32 to vector<16xf32>
      %sub3A_185 = arith.subf %select_n3A_82, %sub3A_184 : vector<16xf32>
      %exp3A_186 = math.exp %sub3A_185 : vector<16xf32>
      %add3A_187 = arith.addf %add3A_183, %exp3A_186 : vector<16xf32>
      %sub3A_188 = vector.broadcast %reduce_max3A_177 : f32 to vector<16xf32>
      %sub3A_189 = arith.subf %select_n3A_88, %sub3A_188 : vector<16xf32>
      %exp3A_190 = math.exp %sub3A_189 : vector<16xf32>
      %add3A_191 = arith.addf %add3A_187, %exp3A_190 : vector<16xf32>
      %sub3A_192 = vector.broadcast %reduce_max3A_177 : f32 to vector<16xf32>
      %sub3A_193 = arith.subf %select_n3A_94, %sub3A_192 : vector<16xf32>
      %exp3A_194 = math.exp %sub3A_193 : vector<16xf32>
      %add3A_195 = arith.addf %add3A_191, %exp3A_194 : vector<16xf32>
      %sub3A_196 = vector.broadcast %reduce_max3A_177 : f32 to vector<16xf32>
      %sub3A_197 = arith.subf %select_n3A_100, %sub3A_196 : vector<16xf32>
      %exp3A_198 = math.exp %sub3A_197 : vector<16xf32>
      %add3A_199 = arith.addf %add3A_195, %exp3A_198 : vector<16xf32>
      %sub3A_200 = vector.broadcast %reduce_max3A_177 : f32 to vector<16xf32>
      %sub3A_201 = arith.subf %select_n3A_106, %sub3A_200 : vector<16xf32>
      %exp3A_202 = math.exp %sub3A_201 : vector<16xf32>
      %add3A_203 = arith.addf %add3A_199, %exp3A_202 : vector<16xf32>
      %sub3A_204 = vector.broadcast %reduce_max3A_177 : f32 to vector<16xf32>
      %sub3A_205 = arith.subf %select_n3A_112, %sub3A_204 : vector<16xf32>
      %exp3A_206 = math.exp %sub3A_205 : vector<16xf32>
      %add3A_207 = arith.addf %add3A_203, %exp3A_206 : vector<16xf32>
      %sub3A_208 = vector.broadcast %reduce_max3A_177 : f32 to vector<16xf32>
      %sub3A_209 = arith.subf %select_n3A_118, %sub3A_208 : vector<16xf32>
      %exp3A_210 = math.exp %sub3A_209 : vector<16xf32>
      %add3A_211 = arith.addf %add3A_207, %exp3A_210 : vector<16xf32>
      %sub3A_212 = vector.broadcast %reduce_max3A_177 : f32 to vector<16xf32>
      %sub3A_213 = arith.subf %select_n3A_124, %sub3A_212 : vector<16xf32>
      %exp3A_214 = math.exp %sub3A_213 : vector<16xf32>
      %add3A_215 = arith.addf %add3A_211, %exp3A_214 : vector<16xf32>
      %sub3A_216 = vector.broadcast %reduce_max3A_177 : f32 to vector<16xf32>
      %sub3A_217 = arith.subf %select_n3A_130, %sub3A_216 : vector<16xf32>
      %exp3A_218 = math.exp %sub3A_217 : vector<16xf32>
      %add3A_219 = arith.addf %add3A_215, %exp3A_218 : vector<16xf32>
      %sub3A_220 = vector.broadcast %reduce_max3A_177 : f32 to vector<16xf32>
      %sub3A_221 = arith.subf %select_n3A_136, %sub3A_220 : vector<16xf32>
      %exp3A_222 = math.exp %sub3A_221 : vector<16xf32>
      %add3A_223 = arith.addf %add3A_219, %exp3A_222 : vector<16xf32>
      %sub3A_224 = vector.broadcast %reduce_max3A_177 : f32 to vector<16xf32>
      %sub3A_225 = arith.subf %select_n3A_142, %sub3A_224 : vector<16xf32>
      %exp3A_226 = math.exp %sub3A_225 : vector<16xf32>
      %add3A_227 = arith.addf %add3A_223, %exp3A_226 : vector<16xf32>
      %sub3A_228 = vector.broadcast %reduce_max3A_177 : f32 to vector<16xf32>
      %sub3A_229 = arith.subf %select_n3A_148, %sub3A_228 : vector<16xf32>
      %exp3A_230 = math.exp %sub3A_229 : vector<16xf32>
      %add3A_231 = arith.addf %add3A_227, %exp3A_230 : vector<16xf32>
      %sub3A_232 = vector.broadcast %reduce_max3A_177 : f32 to vector<16xf32>
      %sub3A_233 = arith.subf %select_n3A_154, %sub3A_232 : vector<16xf32>
      %exp3A_234 = math.exp %sub3A_233 : vector<16xf32>
      %add3A_235 = arith.addf %add3A_231, %exp3A_234 : vector<16xf32>
      %sub3A_236 = vector.broadcast %reduce_max3A_177 : f32 to vector<16xf32>
      %sub3A_237 = arith.subf %select_n3A_160, %sub3A_236 : vector<16xf32>
      %exp3A_238 = math.exp %sub3A_237 : vector<16xf32>
      %add3A_239 = arith.addf %add3A_235, %exp3A_238 : vector<16xf32>
      %broadcast_in_dim3A_240 = arith.constant 0.000000e+00 : f32
      %broadcast_in_dim3A_241 = vector.broadcast %broadcast_in_dim3A_240 : f32 to vector<16xf32>
      %jit3A_242 = arith.constant 1.000000e+00 : f32
      %jit3A_243 = arith.constant 0.000000e+00 : f32
      %broadcast_in_dim3A_244 = vector.broadcast %jit3A_242 : f32 to vector<16xf32>
      %broadcast_in_dim3A_245 = vector.broadcast %jit3A_243 : f32 to vector<16xf32>
      %select_n3A_246 = arith.select %ne3A, %broadcast_in_dim3A_244, %broadcast_in_dim3A_245 : vector<16xi1>, vector<16xf32>
      %add3A_247 = arith.addf %broadcast_in_dim3A_241, %select_n3A_246 : vector<16xf32>
      %jit3A_248 = arith.constant 1.000000e+00 : f32
      %jit3A_249 = arith.constant 0.000000e+00 : f32
      %broadcast_in_dim3A_250 = vector.broadcast %jit3A_248 : f32 to vector<16xf32>
      %broadcast_in_dim3A_251 = vector.broadcast %jit3A_249 : f32 to vector<16xf32>
      %select_n3A_252 = arith.select %ne3A_58, %broadcast_in_dim3A_250, %broadcast_in_dim3A_251 : vector<16xi1>, vector<16xf32>
      %add3A_253 = arith.addf %add3A_247, %select_n3A_252 : vector<16xf32>
      %jit3A_254 = arith.constant 1.000000e+00 : f32
      %jit3A_255 = arith.constant 0.000000e+00 : f32
      %broadcast_in_dim3A_256 = vector.broadcast %jit3A_254 : f32 to vector<16xf32>
      %broadcast_in_dim3A_257 = vector.broadcast %jit3A_255 : f32 to vector<16xf32>
      %select_n3A_258 = arith.select %ne3A_59, %broadcast_in_dim3A_256, %broadcast_in_dim3A_257 : vector<16xi1>, vector<16xf32>
      %add3A_259 = arith.addf %add3A_253, %select_n3A_258 : vector<16xf32>
      %jit3A_260 = arith.constant 1.000000e+00 : f32
      %jit3A_261 = arith.constant 0.000000e+00 : f32
      %broadcast_in_dim3A_262 = vector.broadcast %jit3A_260 : f32 to vector<16xf32>
      %broadcast_in_dim3A_263 = vector.broadcast %jit3A_261 : f32 to vector<16xf32>
      %select_n3A_264 = arith.select %ne3A_60, %broadcast_in_dim3A_262, %broadcast_in_dim3A_263 : vector<16xi1>, vector<16xf32>
      %add3A_265 = arith.addf %add3A_259, %select_n3A_264 : vector<16xf32>
      %jit3A_266 = arith.constant 1.000000e+00 : f32
      %jit3A_267 = arith.constant 0.000000e+00 : f32
      %broadcast_in_dim3A_268 = vector.broadcast %jit3A_266 : f32 to vector<16xf32>
      %broadcast_in_dim3A_269 = vector.broadcast %jit3A_267 : f32 to vector<16xf32>
      %select_n3A_270 = arith.select %ne3A_61, %broadcast_in_dim3A_268, %broadcast_in_dim3A_269 : vector<16xi1>, vector<16xf32>
      %add3A_271 = arith.addf %add3A_265, %select_n3A_270 : vector<16xf32>
      %jit3A_272 = arith.constant 1.000000e+00 : f32
      %jit3A_273 = arith.constant 0.000000e+00 : f32
      %broadcast_in_dim3A_274 = vector.broadcast %jit3A_272 : f32 to vector<16xf32>
      %broadcast_in_dim3A_275 = vector.broadcast %jit3A_273 : f32 to vector<16xf32>
      %select_n3A_276 = arith.select %ne3A_62, %broadcast_in_dim3A_274, %broadcast_in_dim3A_275 : vector<16xi1>, vector<16xf32>
      %add3A_277 = arith.addf %add3A_271, %select_n3A_276 : vector<16xf32>
      %jit3A_278 = arith.constant 1.000000e+00 : f32
      %jit3A_279 = arith.constant 0.000000e+00 : f32
      %broadcast_in_dim3A_280 = vector.broadcast %jit3A_278 : f32 to vector<16xf32>
      %broadcast_in_dim3A_281 = vector.broadcast %jit3A_279 : f32 to vector<16xf32>
      %select_n3A_282 = arith.select %ne3A_63, %broadcast_in_dim3A_280, %broadcast_in_dim3A_281 : vector<16xi1>, vector<16xf32>
      %add3A_283 = arith.addf %add3A_277, %select_n3A_282 : vector<16xf32>
      %jit3A_284 = arith.constant 1.000000e+00 : f32
      %jit3A_285 = arith.constant 0.000000e+00 : f32
      %broadcast_in_dim3A_286 = vector.broadcast %jit3A_284 : f32 to vector<16xf32>
      %broadcast_in_dim3A_287 = vector.broadcast %jit3A_285 : f32 to vector<16xf32>
      %select_n3A_288 = arith.select %ne3A_64, %broadcast_in_dim3A_286, %broadcast_in_dim3A_287 : vector<16xi1>, vector<16xf32>
      %add3A_289 = arith.addf %add3A_283, %select_n3A_288 : vector<16xf32>
      %add3A_290 = arith.addf %add3A_289, %add3A_289 : vector<16xf32>
      %reduce_sum3A_291 = arith.constant true
      %reduce_sum3A_292 = vector.broadcast %reduce_sum3A_291 : i1 to vector<16xi1>
      %reduce_sum3A_293 = tpu.scan <sum>, %add3A_290 masked %reduce_sum3A_292 : vector<16xf32>, vector<16xi1> -> vector<16xf32>
      %reduce_sum3A_294 = vector.extract %reduce_sum3A_293[15] : f32 from vector<16xf32>
      %add3A_295 = arith.addf %scan3A_54, %add3A_290 : vector<16xf32>
      %gt3A = arith.constant 0.000000e+00 : f32
      %gt3A_296 = arith.cmpf ogt, %reduce_sum3A_294, %gt3A : f32
      %convert_element_type3A = arith.extui %gt3A_296 : i1 to i32
      %convert_element_type3A_297 = arith.sitofp %convert_element_type3A : i32 to f32
      %add3A_298 = arith.addf %scan3A_55, %convert_element_type3A_297 : f32
      scf.yield %add3A_239, %add3A_295, %add3A_298 : vector<16xf32>, vector<16xf32>, f32
    }
    %scan3A_29 = arith.constant 16 : i32
    %reduce_sum3A = arith.constant true
    %reduce_sum3A_30 = vector.broadcast %reduce_sum3A : i1 to vector<16xi1>
    %reduce_sum3A_31 = tpu.scan <sum>, %scan3A_28#0 masked %reduce_sum3A_30 : vector<16xf32>, vector<16xi1> -> vector<16xf32>
    %reduce_sum3A_32 = vector.extract %reduce_sum3A_31[15] : f32 from vector<16xf32>
    %reduce_sum3A_33 = arith.constant true
    %reduce_sum3A_34 = vector.broadcast %reduce_sum3A_33 : i1 to vector<16xi1>
    %reduce_sum3A_35 = tpu.scan <sum>, %scan3A_28#1 masked %reduce_sum3A_34 : vector<16xf32>, vector<16xi1> -> vector<16xf32>
    %reduce_sum3A_36 = vector.extract %reduce_sum3A_35[15] : f32 from vector<16xf32>
    %iota3A = tpu.iota {dimensions = array<i32: 0>} : vector<16xi32>
    %eq3A = arith.constant 0 : i32
    %eq3A_37 = vector.broadcast %eq3A : i32 to vector<16xi32>
    %eq3A_38 = arith.cmpi eq, %iota3A, %eq3A_37 : vector<16xi32>
    %eq3A_39 = arith.constant 1 : i32
    %eq3A_40 = vector.broadcast %eq3A_39 : i32 to vector<16xi32>
    %eq3A_41 = arith.cmpi eq, %iota3A, %eq3A_40 : vector<16xi32>
    %eq3A_42 = arith.constant 2 : i32
    %eq3A_43 = vector.broadcast %eq3A_42 : i32 to vector<16xi32>
    %eq3A_44 = arith.cmpi eq, %iota3A, %eq3A_43 : vector<16xi32>
    %jit3A = arith.constant 0.000000e+00 : f32
    %broadcast_in_dim3A_45 = vector.broadcast %scan3A_28#2 : f32 to vector<16xf32>
    %broadcast_in_dim3A_46 = vector.broadcast %jit3A : f32 to vector<16xf32>
    %select_n3A = arith.select %eq3A_44, %broadcast_in_dim3A_45, %broadcast_in_dim3A_46 : vector<16xi1>, vector<16xf32>
    %broadcast_in_dim3A_47 = vector.broadcast %reduce_sum3A_36 : f32 to vector<16xf32>
    %select_n3A_48 = arith.select %eq3A_41, %broadcast_in_dim3A_47, %select_n3A : vector<16xi1>, vector<16xf32>
    %broadcast_in_dim3A_49 = vector.broadcast %reduce_sum3A_32 : f32 to vector<16xf32>
    %select_n3A_50 = arith.select %eq3A_38, %broadcast_in_dim3A_49, %select_n3A_48 : vector<16xi1>, vector<16xf32>
    %swap3A = arith.constant 0 : index
    %swap3A_51 = tpu.vector_load %arg7[%swap3A] {strides = array<i32>} : memref<16xf32, #tpu.memory_space<vmem>>, vector<16xf32>,
    tpu.vector_store %arg7[%swap3A], %select_n3A_50 {strides = array<i32>} : memref<16xf32, #tpu.memory_space<vmem>>, vector<16xf32>,
    "tpu.region"() ({
      %run_scoped3A = tpu.sem_alloc : memref<!tpu.dma_semaphore, #tpu.memory_space<semaphore_mem>>
      %dma_start3A = arith.constant 0 : i32
      %dma_start3A_52 = tpu.memref_slice %arg4[%add3A, %dma_start3A] : memref<16x16xf32, #tpu.memory_space<hbm>> -> memref<1x16xf32, #tpu.memory_space<hbm>>
      %dma_start3A_53 = tpu.memref_squeeze %dma_start3A_52 : memref<1x16xf32, #tpu.memory_space<hbm>> -> memref<16xf32, #tpu.memory_space<hbm>>
      %dma_start3A_54 = arith.constant 0 : i32
      %dma_start3A_55 = tpu.memref_slice %arg4[%add3A, %dma_start3A_54] : memref<16x16xf32, #tpu.memory_space<hbm>> -> memref<1x16xf32, #tpu.memory_space<hbm>>
      %dma_start3A_56 = tpu.memref_squeeze %dma_start3A_55 : memref<1x16xf32, #tpu.memory_space<hbm>> -> memref<16xf32, #tpu.memory_space<hbm>>
      tpu.enqueue_dma source(%arg7 : memref<16xf32, #tpu.memory_space<vmem>>) target(%dma_start3A_56 : memref<16xf32, #tpu.memory_space<hbm>>) target_semaphore(%run_scoped3A : memref<!tpu.dma_semaphore, #tpu.memory_space<semaphore_mem>>)
      %dma_wait3A = arith.constant 0 : i32
      %dma_wait3A_57 = tpu.memref_slice %arg4[%add3A, %dma_wait3A] : memref<16x16xf32, #tpu.memory_space<hbm>> -> memref<1x16xf32, #tpu.memory_space<hbm>>
      %dma_wait3A_58 = tpu.memref_squeeze %dma_wait3A_57 : memref<1x16xf32, #tpu.memory_space<hbm>> -> memref<16xf32, #tpu.memory_space<hbm>>
      %dma_wait3A_59 = arith.constant 0 : i32
      %dma_wait3A_60 = tpu.memref_slice %arg4[%add3A, %dma_wait3A_59] : memref<16x16xf32, #tpu.memory_space<hbm>> -> memref<1x16xf32, #tpu.memory_space<hbm>>
      %dma_wait3A_61 = tpu.memref_squeeze %dma_wait3A_60 : memref<1x16xf32, #tpu.memory_space<hbm>> -> memref<16xf32, #tpu.memory_space<hbm>>
      tpu.wait_dma2 semaphore(%run_scoped3A : memref<!tpu.dma_semaphore, #tpu.memory_space<semaphore_mem>>) src(%arg7 : memref<16xf32, #tpu.memory_space<vmem>>) dst(%dma_wait3A_61 : memref<16xf32, #tpu.memory_space<hbm>>)
      tpu.yield
    }) : () -> ()
    return
  }
}

module attributes {stable_mosaic.version = 14 : i64} {
  func.func @_simmat_body(%arg0: memref<128x2x128xf32, #tpu.memory_space<vmem>>, %arg1: memref<256x256xf32, #tpu.memory_space<vmem>>) attributes {dimension_semantics = [], scalar_prefetch = 0 : i64, scratch_operands = 0 : i64, tpu.core_type = #tpu.core_type<tc>} {
    %get3A = arith.constant 0 : index
    %get3A_0 = arith.constant 0 : index
    %get3A_1 = arith.constant 0 : index
    %get3A_2 = vector.load %arg0[%get3A, %get3A_0, %get3A_1] : memref<128x2x128xf32, #tpu.memory_space<vmem>>, vector<128x1x128xf32>
    %get3A_3 = vector.shape_cast %get3A_2 : vector<128x1x128xf32> to vector<128x128xf32>
    %get3A_4 = arith.constant 0 : index
    %get3A_5 = arith.constant 0 : index
    %get3A_6 = arith.constant 0 : index
    %get3A_7 = vector.load %arg0[%get3A_4, %get3A_5, %get3A_6] : memref<128x2x128xf32, #tpu.memory_space<vmem>>, vector<128x1x128xf32>
    %get3A_8 = vector.shape_cast %get3A_7 : vector<128x1x128xf32> to vector<128x128xf32>
    %dot_general3A = arith.constant dense<0.000000e+00> : vector<128x128xf32>
    %dot_general3A_9 = tpu.matmul %get3A_3, %get3A_8, %dot_general3A {dimension_numbers = #tpu.dot_dimension_numbers<[1], [1], [0], [0], [0, 0, 1, 0], [], []>, transpose_lhs_hint = false} : vector<128x128xf32>, vector<128x128xf32>, vector<128x128xf32> -> vector<128x128xf32>
    %mul3A = arith.constant 2.000000e+01 : f32
    %mul3A_10 = vector.broadcast %mul3A : f32 to vector<128x128xf32>
    %mul3A_11 = arith.mulf %dot_general3A_9, %mul3A_10 : vector<128x128xf32>
    %swap3A = arith.constant 0 : index
    %swap3A_12 = arith.constant 0 : index
    %swap3A_13 = vector.load %arg1[%swap3A, %swap3A_12] : memref<256x256xf32, #tpu.memory_space<vmem>>, vector<128x128xf32>
    tpu.vector_store %arg1[%swap3A, %swap3A_12], %mul3A_11 {strides = array<i32>} : memref<256x256xf32, #tpu.memory_space<vmem>>, vector<128x128xf32>,
    %get3A_14 = arith.constant 0 : index
    %get3A_15 = arith.constant 1 : index
    %get3A_16 = arith.constant 0 : index
    %get3A_17 = vector.load %arg0[%get3A_14, %get3A_15, %get3A_16] : memref<128x2x128xf32, #tpu.memory_space<vmem>>, vector<128x1x128xf32>
    %get3A_18 = vector.shape_cast %get3A_17 : vector<128x1x128xf32> to vector<128x128xf32>
    %dot_general3A_19 = arith.constant dense<0.000000e+00> : vector<128x128xf32>
    %dot_general3A_20 = tpu.matmul %get3A_3, %get3A_18, %dot_general3A_19 {dimension_numbers = #tpu.dot_dimension_numbers<[1], [1], [0], [0], [0, 0, 1, 0], [], []>, transpose_lhs_hint = false} : vector<128x128xf32>, vector<128x128xf32>, vector<128x128xf32> -> vector<128x128xf32>
    %mul3A_21 = arith.constant 2.000000e+01 : f32
    %mul3A_22 = vector.broadcast %mul3A_21 : f32 to vector<128x128xf32>
    %mul3A_23 = arith.mulf %dot_general3A_20, %mul3A_22 : vector<128x128xf32>
    %swap3A_24 = arith.constant 0 : index
    %swap3A_25 = arith.constant 128 : index
    %swap3A_26 = vector.load %arg1[%swap3A_24, %swap3A_25] : memref<256x256xf32, #tpu.memory_space<vmem>>, vector<128x128xf32>
    tpu.vector_store %arg1[%swap3A_24, %swap3A_25], %mul3A_23 {strides = array<i32>} : memref<256x256xf32, #tpu.memory_space<vmem>>, vector<128x128xf32>,
    %get3A_27 = arith.constant 0 : index
    %get3A_28 = arith.constant 1 : index
    %get3A_29 = arith.constant 0 : index
    %get3A_30 = vector.load %arg0[%get3A_27, %get3A_28, %get3A_29] : memref<128x2x128xf32, #tpu.memory_space<vmem>>, vector<128x1x128xf32>
    %get3A_31 = vector.shape_cast %get3A_30 : vector<128x1x128xf32> to vector<128x128xf32>
    %get3A_32 = arith.constant 0 : index
    %get3A_33 = arith.constant 0 : index
    %get3A_34 = arith.constant 0 : index
    %get3A_35 = vector.load %arg0[%get3A_32, %get3A_33, %get3A_34] : memref<128x2x128xf32, #tpu.memory_space<vmem>>, vector<128x1x128xf32>
    %get3A_36 = vector.shape_cast %get3A_35 : vector<128x1x128xf32> to vector<128x128xf32>
    %dot_general3A_37 = arith.constant dense<0.000000e+00> : vector<128x128xf32>
    %dot_general3A_38 = tpu.matmul %get3A_31, %get3A_36, %dot_general3A_37 {dimension_numbers = #tpu.dot_dimension_numbers<[1], [1], [0], [0], [0, 0, 1, 0], [], []>, transpose_lhs_hint = false} : vector<128x128xf32>, vector<128x128xf32>, vector<128x128xf32> -> vector<128x128xf32>
    %mul3A_39 = arith.constant 2.000000e+01 : f32
    %mul3A_40 = vector.broadcast %mul3A_39 : f32 to vector<128x128xf32>
    %mul3A_41 = arith.mulf %dot_general3A_38, %mul3A_40 : vector<128x128xf32>
    %swap3A_42 = arith.constant 128 : index
    %swap3A_43 = arith.constant 0 : index
    %swap3A_44 = vector.load %arg1[%swap3A_42, %swap3A_43] : memref<256x256xf32, #tpu.memory_space<vmem>>, vector<128x128xf32>
    tpu.vector_store %arg1[%swap3A_42, %swap3A_43], %mul3A_41 {strides = array<i32>} : memref<256x256xf32, #tpu.memory_space<vmem>>, vector<128x128xf32>,
    %get3A_45 = arith.constant 0 : index
    %get3A_46 = arith.constant 1 : index
    %get3A_47 = arith.constant 0 : index
    %get3A_48 = vector.load %arg0[%get3A_45, %get3A_46, %get3A_47] : memref<128x2x128xf32, #tpu.memory_space<vmem>>, vector<128x1x128xf32>
    %get3A_49 = vector.shape_cast %get3A_48 : vector<128x1x128xf32> to vector<128x128xf32>
    %dot_general3A_50 = arith.constant dense<0.000000e+00> : vector<128x128xf32>
    %dot_general3A_51 = tpu.matmul %get3A_31, %get3A_49, %dot_general3A_50 {dimension_numbers = #tpu.dot_dimension_numbers<[1], [1], [0], [0], [0, 0, 1, 0], [], []>, transpose_lhs_hint = false} : vector<128x128xf32>, vector<128x128xf32>, vector<128x128xf32> -> vector<128x128xf32>
    %mul3A_52 = arith.constant 2.000000e+01 : f32
    %mul3A_53 = vector.broadcast %mul3A_52 : f32 to vector<128x128xf32>
    %mul3A_54 = arith.mulf %dot_general3A_51, %mul3A_53 : vector<128x128xf32>
    %swap3A_55 = arith.constant 128 : index
    %swap3A_56 = arith.constant 128 : index
    %swap3A_57 = vector.load %arg1[%swap3A_55, %swap3A_56] : memref<256x256xf32, #tpu.memory_space<vmem>>, vector<128x128xf32>
    tpu.vector_store %arg1[%swap3A_55, %swap3A_56], %mul3A_54 {strides = array<i32>} : memref<256x256xf32, #tpu.memory_space<vmem>>, vector<128x128xf32>,
    return
  }
}

module attributes {stable_mosaic.version = 14 : i64} {
  func.func @_combine_body(%arg0: memref<16x16xf32, #tpu.memory_space<vmem>>, %arg1: memref<1x1xf32, #tpu.memory_space<vmem>>) attributes {dimension_semantics = [], scalar_prefetch = 0 : i64, scratch_operands = 0 : i64, tpu.core_type = #tpu.core_type<tc>} {
    %get3A = arith.constant 0 : index
    %get3A_0 = arith.constant 0 : index
    %get3A_1 = vector.load %arg0[%get3A, %get3A_0] : memref<16x16xf32, #tpu.memory_space<vmem>>, vector<16x16xf32>
    %slice3A = vector.extract_strided_slice %get3A_1 {offsets = [0, 0], sizes = [16, 1], strides = [1, 1]} : vector<16x16xf32> to vector<16x1xf32>
    %reduce_sum3A = vector.shape_cast %slice3A : vector<16x1xf32> to vector<1x16x1xf32>
    %reduce_sum3A_2 = arith.constant dense<0.000000e+00> : vector<1xf32>
    %reduce_sum3A_3 = vector.multi_reduction <add>, %reduce_sum3A, %reduce_sum3A_2 [1, 2] : vector<1x16x1xf32> to vector<1xf32>
    %reduce_sum3A_4 = vector.shape_cast %reduce_sum3A_3 : vector<1xf32> to vector<1x1x1xf32>
    %reduce_sum3A_5 = vector.extract %reduce_sum3A_4[0, 0, 0] : f32 from vector<1x1x1xf32>
    %slice3A_6 = vector.extract_strided_slice %get3A_1 {offsets = [0, 1], sizes = [16, 1], strides = [1, 1]} : vector<16x16xf32> to vector<16x1xf32>
    %reduce_sum3A_7 = vector.shape_cast %slice3A_6 : vector<16x1xf32> to vector<1x16x1xf32>
    %reduce_sum3A_8 = arith.constant dense<0.000000e+00> : vector<1xf32>
    %reduce_sum3A_9 = vector.multi_reduction <add>, %reduce_sum3A_7, %reduce_sum3A_8 [1, 2] : vector<1x16x1xf32> to vector<1xf32>
    %reduce_sum3A_10 = vector.shape_cast %reduce_sum3A_9 : vector<1xf32> to vector<1x1x1xf32>
    %reduce_sum3A_11 = vector.extract %reduce_sum3A_10[0, 0, 0] : f32 from vector<1x1x1xf32>
    %slice3A_12 = vector.extract_strided_slice %get3A_1 {offsets = [0, 2], sizes = [16, 1], strides = [1, 1]} : vector<16x16xf32> to vector<16x1xf32>
    %reduce_sum3A_13 = vector.shape_cast %slice3A_12 : vector<16x1xf32> to vector<1x16x1xf32>
    %reduce_sum3A_14 = arith.constant dense<0.000000e+00> : vector<1xf32>
    %reduce_sum3A_15 = vector.multi_reduction <add>, %reduce_sum3A_13, %reduce_sum3A_14 [1, 2] : vector<1x16x1xf32> to vector<1xf32>
    %reduce_sum3A_16 = vector.shape_cast %reduce_sum3A_15 : vector<1xf32> to vector<1x1x1xf32>
    %reduce_sum3A_17 = vector.extract %reduce_sum3A_16[0, 0, 0] : f32 from vector<1x1x1xf32>
    %max3A = arith.constant 1.000000e+00 : f32
    %max3A_18 = arith.maximumf %reduce_sum3A_11, %max3A : f32
    %div3A = arith.divf %reduce_sum3A_5, %max3A_18 : f32
    %add3A = arith.constant 9.99999997E-7 : f32
    %add3A_19 = arith.addf %div3A, %add3A : f32
    %log3A = math.log %add3A_19 : f32
    %mul3A = arith.mulf %reduce_sum3A_17, %log3A : f32
    %sub3A = arith.constant 2.560000e+02 : f32
    %sub3A_20 = arith.subf %sub3A, %reduce_sum3A_17 : f32
    %log3A_21 = arith.constant 9.99999997E-7 : f32
    %log3A_22 = math.log %log3A_21 : f32
    %mul3A_23 = arith.mulf %sub3A_20, %log3A_22 : f32
    %add3A_24 = arith.addf %mul3A, %mul3A_23 : f32
    %div3A_25 = arith.constant 2.560000e+02 : f32
    %div3A_26 = arith.divf %add3A_24, %div3A_25 : f32
    %reshape3A = vector.broadcast %div3A_26 : f32 to vector<1x1xf32>
    %swap3A = arith.constant 0 : index
    %swap3A_27 = arith.constant 0 : index
    %swap3A_28 = vector.load %arg1[%swap3A, %swap3A_27] : memref<1x1xf32, #tpu.memory_space<vmem>>, vector<1x1xf32>
    tpu.vector_store %arg1[%swap3A, %swap3A_27], %reshape3A {strides = array<i32>} : memref<1x1xf32, #tpu.memory_space<vmem>>, vector<1x1xf32>,
    return
  }
}

</mosaic_0001>

<sc_bundles>
// kernel: kernel.5.cloned.1.call-start
scs
__scs_entry_jumppad:
0x0: {  	(pc) =	sbr.rel $0x88, $3  }
0x1: {  	(tag) =	ssettag $0x0;
	lr =	simm.s32 $0x1  }
0x2: {  	[smem:$0x3F9F] =	sst lr;
	_ =	strace $0xD0000000  }
0x3: {  	_ = 	snop  }
0x4: {  	_ = 	snop  }
0x5: {  	_ = 	snop  }
0x6: {  	_ = 	snop  }
0x7: {  	_ = 	snop  }
__scs_overlays_trampoline_lowered:
0x8: {  	[smem:$0x3FAE] =	sst s0  }
0x9: {  	[smem:$0x3FAF] =	sst s1  }
0xa: {  	[smem:$0x3FB0] =	sst s2  }
0xb: {  	[smem:$0x3FB1] =	sst s3  }
0xc: {  	[smem:$0x3FB2] =	sst s4  }
0xd: {  	[smem:$0x3FB3] =	sst s5  }
0xe: {  	[smem:$0x3FB4] =	sst s6  }
0xf: {  	[smem:$0x3FB5] =	sst s7  }
0x10: {  	[smem:$0x3FB6] =	sst s8  }
0x11: {  	[smem:$0x3FB7] =	sst s9;
	s0 =	simm.s32 @!p0 $0x0  }
0x12: {  	s1 =	sld [smem:$0x3F9D];
	s0 =	simm.s32 @p0 $0x1  }
0x13: {  	[smem:$0x3FB8] =	sst s0;
	s0 =	simm.s32 @!p1 $0x0  }
0x14: {  	s2 =	sld [smem:$0x3F9C];
	s0 =	simm.s32 @p1 $0x1  }
0x15: {  	[smem:$0x3FB9] =	sst s0;
	s0 =	simm.s32 @!p2 $0x0  }
0x16: {  	s3 =	sld [smem:$0x3FDB];
	s0 =	simm.s32 @p2 $0x1  }
0x17: {  	s4 =	simm.s32 $0x1BF5;
	[smem:$0x3FBB] =	sst s0  }
0x18: {  	s0 =	sld [smem:$0x3F9E];
	_ =	swait.ge [sflag:s4], $0x0  }
0x19: {  	s7 =	sld [smem:$0x3F9F]  }
0x1a: {  	s8 =	sadd.s32 $0xFFFFE003, lr  }
0x1b: {  	s9 =	sadd.s32 $0xFFFFFEF7, lr;
	s5 =	simm.s32 $0xFFFFFFFF;
	p2 =	slt.u32 s8, $0xFFFFF086  }
0x1c: {  	p1 =	slt.u32 s9, $0xF7A;
	s5 =	simm.s32 @!p2 $0x0  }
0x1d: {  	s5 =	simm.s32 @p1 $0x1;
	p0 =	seq.s32 s7, s2  }
0x1e: {  	s7 =	smul.u32 @!p0 $0xF7A, s2;
	p2 =	seq.s32 @!p0 s5, $0x0  }
0x1f: {  	s9 =	smul.u32 $0xF7A, s1;
	s8 =	simm.s32 @!p0 $0x1BF5;
	p2 =	por !p2, p0  }
0x20: {  	[sflag:s8] =	ssyncset.s32 @!p0 $0xFFFFF086;
	s6 =	sadd.s32 @!p0 s3, s7;
	s7 =	simm.s32 @!p0 $0x108  }
0x21: {  	s3 =	sadd.s32 s3, s9;
	s6 =	sadd.s32 @!p0 $0x88, s6;
	s7 =	simm.s32 @p2 $0x1082  }
0x22: {  	[simem:s7], [sflag:s8] =	dma.local @!p0 [hbm:s6], $0xF7A  }
0x23: {  	s9 =	sor.u32 $0xD0000000, s2;
	s6 =	simm.s32 $0x108;
	_ =	swait.ge @!p0 [sflag:s8], $0x0  }
0x24: {  	s3 =	sadd.s32 $0x88, s3;
	s6 =	simm.s32 @!p1 $0x1082;
	[sflag:s4] =	ssyncset.s32 $0xFFFFF086  }
0x25: {  	[simem:s6], [sflag:s4] =	dma.local [hbm:s3], $0xF7A  }
0x26: {  	[smem:$0x3F9F] =	sst s1;
	(tag) =	ssettag s2;
	_ =	strace s9  }
0x27: {  	s1 =	sld [smem:$0x3FAF]  }
0x28: {  	s2 =	sld [smem:$0x3FB0]  }
0x29: {  	s4 =	sld [smem:$0x3FB2]  }
0x2a: {  	p0 =	seq.s32 s5, $0x0;
	s5 =	sld [smem:$0x3FB3]  }
0x2b: {  	s6 =	sld [smem:$0x3FB4]  }
0x2c: {  	s7 =	sld [smem:$0x3FB5]  }
0x2d: {  	s3 =	simm.s32 $0x108;
	s8 =	sld [smem:$0x3FB6]  }
0x2e: {  	s3 =	simm.s32 @!p0 $0x1082;
	s9 =	sld [smem:$0x3FB7]  }
0x2f: {  	lr =	sadd.s32 s0, s3;
	s0 =	sld [smem:$0x3FAE]  }
0x30: {  	s3 =	sld [smem:$0x3FB1]  }
0x31: {  	[smem:$0x3FBA] =	sst s10  }
0x32: {  	s10 =	sld [smem:$0x3FB8];
	_ =	sdelay $0x3  }
0x33: {  	p0 =	seq.s32 s10, $0x1;
	s10 =	sld [smem:$0x3FBA];
	_ =	sdelay $0x3  }
0x34: {  	[smem:$0x3FBA] =	sst s10  }
0x35: {  	s10 =	sld [smem:$0x3FB9];
	_ =	sdelay $0x3  }
0x36: {  	p1 =	seq.s32 s10, $0x1;
	s10 =	sld [smem:$0x3FBA];
	_ =	sdelay $0x3  }
0x37: {  	[smem:$0x3FBA] =	sst s10  }
0x38: {  	s10 =	sld [smem:$0x3FBB]  }
0x39: {  	_ = 	snop;
	(pc) =	sbr.ind lr, $3  }
0x3a: {  	_ = 	snop  }
0x3b: {  	_ = 	snop  }
0x3c: {  	p2 =	seq.s32 s10, $0x1;
	s10 =	sld [smem:$0x3FBA]  }
0x3d: {  	_ =	shalt  }
0x3e: {  	_ =	shalt  }
0x3f: {  	_ =	shalt  }
0x40: {  	_ =	shalt  }
0x41: {  	_ =	shalt  }
0x42: {  	_ =	shalt  }
0x43: {  	_ =	shalt  }
0x44: {  	_ =	shalt  }
0x45: {  	_ =	shalt  }
0x46: {  	_ =	shalt  }
0x47: {  	_ =	shalt  }
0x48: {  	_ =	shalt  }
0x49: {  	_ =	shalt  }
0x4a: {  	_ =	shalt  }
0x4b: {  	_ =	shalt  }
0x4c: {  	_ =	shalt  }
0x4d: {  	_ =	shalt  }
0x4e: {  	_ =	shalt  }
0x4f: {  	_ =	shalt  }
0x50: {  	_ =	shalt  }
0x51: {  	_ =	shalt  }
0x52: {  	_ =	shalt  }
0x53: {  	_ =	shalt  }
0x54: {  	_ =	shalt  }
0x55: {  	_ =	shalt  }
0x56: {  	_ =	shalt  }
0x57: {  	_ =	shalt  }
0x58: {  	_ =	shalt  }
0x59: {  	_ =	shalt  }
0x5a: {  	_ =	shalt  }
0x5b: {  	_ =	shalt  }
0x5c: {  	_ =	shalt  }
0x5d: {  	_ =	shalt  }
0x5e: {  	_ =	shalt  }
0x5f: {  	_ =	shalt  }
0x60: {  	_ =	shalt  }
0x61: {  	_ =	shalt  }
0x62: {  	_ =	shalt  }
0x63: {  	_ =	shalt  }
0x64: {  	_ =	shalt  }
0x65: {  	_ =	shalt  }
0x66: {  	_ =	shalt  }
0x67: {  	_ =	shalt  }
0x68: {  	_ =	shalt  }
0x69: {  	_ =	shalt  }
0x6a: {  	_ =	shalt  }
0x6b: {  	_ =	shalt  }
0x6c: {  	_ =	shalt  }
0x6d: {  	_ =	shalt  }
0x6e: {  	_ =	shalt  }
0x6f: {  	_ =	shalt  }
0x70: {  	_ =	shalt  }
0x71: {  	_ =	shalt  }
0x72: {  	_ =	shalt  }
0x73: {  	_ =	shalt  }
0x74: {  	_ =	shalt  }
0x75: {  	_ =	shalt  }
0x76: {  	_ =	shalt  }
0x77: {  	_ =	shalt  }
0x78: {  	_ =	shalt  }
0x79: {  	_ =	shalt  }
0x7a: {  	_ =	shalt  }
0x7b: {  	_ =	shalt  }
0x7c: {  	_ =	shalt  }
0x7d: {  	_ =	shalt  }
0x7e: {  	_ =	shalt  }
0x7f: {  	_ =	shalt  }
0x80: {  	_ =	shalt  }
0x81: {  	_ =	shalt  }
0x82: {  	_ =	shalt  }
0x83: {  	_ =	shalt  }
0x84: {  	_ =	shalt  }
0x85: {  	_ =	shalt  }
0x86: {  	_ =	shalt  }
0x87: {  	_ =	shalt  }
.Lfunc_end0:
.L_simem_size_0:
called_computation_lowered:
.L_overlay_start_0:
0x88: {  	s0 =	sld [smem:$0x3FD9]  }
0x89: {  	s1 =	sld [smem:$0x3FFE];
	_ =	sdelay $0x3  }
0x8a: {  	s0 =	sadd.s32 s1, s0  }
0x8b: {  	[smem:$0x3FC6] =	sst s0  }
0x8c: {  	_ = 	snop  }
0x8d: {  	s0 =	sld [smem:$0x3FC8];
	(tm) =	ssettm $0x1  }
0x8e: {  	s16 =	sld [smem:$0x3FFB];
	_ =	sdelay $0x3  }
0x8f: {  	_ =	strace s16  }
0x90: {  	s1 =	sld [smem:$0x3FFC];
	_ =	sdelay $0x3  }
0x91: {  	_ =	strace s1  }
0x92: {  	s1 =	sld [smem:$0x3FFD];
	_ =	sdelay $0x3  }
0x93: {  	_ =	strace s1  }
0x94: {  	_ =	strace $0x8FFFFFFF  }
0x95: {  	s17 =	sld [smem:$0x3FDB];
	_ =	sdelay $0x1  }
0x96: {  	s2 =	simm.s32 $_scs_section_size  }
0x97: {  	s3 =	simm.s32 $_size__tile_overlayer_lowered;
	s4 =	simm.s32 $_tile_overlayer_lowered  }
0x98: {  	s20 =	simm.s32 $0x1BFF;
	s19 =	sshll.u32 s4, $0x1;
	s1 =	sadd.s32 s2, s17  }
0x99: {  	s5 =	simm.s32 $0x0;
	s18 =	sshll.u32 s3, $0x1;
	s3 =	sadd.s32 s19, s1  }
0x9a: {  	[timem:s5], [sflag:s20] =	dma.local [hbm:s3], s18  }
0x9b: {  	_ =	swait.ge [sflag:s20], s18  }
0x9c: {  	s2 =	ssub.s32 $0x0, s18;
	[sflag:s20] =	ssyncset.done $0x0  }
0x9d: {  	[sflag:s20] =	ssyncadd.s32 s2;
	_ =	sdelay $0x1  }
0x9e: {  	s21 =	simm.s32 $0x1B8B  }
0x9f: {  	_ =	swait.ge [sflag:s21], $0x1  }
0xa0: {  	[sflag:s21] =	ssyncset.done $0x0  }
0xa1: {  	s23 =	simm.s32 $0x1B8E;
	s22 =	sld [smem:$0x3FFE];
	[sflag:s21] =	ssyncadd.s32 $0xFFFFFFFF  }
0xa2: {  	s24 =	simm.s32 $execute0_lowered;
	[smem:$0x3FD2] =	sst s23  }
0xa3: {  	s3 =	sshll.u32 s24, $0x1;
	_ =	strace $0x80000046;
	[dreg:$0x1] =	wrdreg $0xFFFFFFFF  }
0xa4: {  	s25 =	simm.s32 $_size_execute0_lowered;
	s1 =	sadd.s32 s1, s3;
	[dreg:$0x0] =	wrdreg $0x0  }
0xa5: {  	s3 =	sshll.u32 s25, $0x1;
	[dreg:$0x2] =	wrdreg s1  }
0xa6: {  	[dreg:$0x3] =	wrdreg s3  }
0xa7: {  	[dreg:$0x4] =	wrdreg $0xC0  }
0xa8: {  	_ =	task [dreg:s5], $0x5FFFF  }
0xa9: {  	[dreg:$0x1] =	wrdreg $0xFFFFFFFF  }
0xaa: {  	[dreg:$0x0] =	wrdreg $0x60  }
0xab: {  	[dreg:$0x2] =	wrdreg s22  }
0xac: {  	[dreg:$0x3] =	wrdreg s0  }
0xad: {  	[dreg:$0x4] =	wrdreg $0x9  }
0xae: {  	_ =	task.clear_ibuf [dreg:s5], $0x5FFFF;
	_ =	strace $0x90000046  }
0xaf: {  	s26 =	simm.s32 $0x9;
	_ =	strace $0x80000048  }
0xb0: {  	_ =	swait.ge [sflag:s26], $0x1  }
0xb1: {  	[sflag:s26] =	ssyncadd.s32 $0xFFFFFFFF  }
0xb2: {  	_ =	strace $0x90000048  }
0xb3: {  	_ =	sfence  }
0xb4: {  	s28 =	sld [smem:$0x0];
	_ =	sdelay $0x1  }
0xb5: {  	s29 =	srdreg.scid  }
0xb6: {  	s30 =	sshll.u32 s29, $0xD;
	s31 =	sshrl.u32 s29, $0x2  }
0xb7: {  	s2 =	sand.u32 $0x4000, s30;
	s1 =	sand.u32 $0x1, s29;
	s0 =	sadd.s32 s31, s28  }
0xb8: {  	s1 =	sor.u32 s2, s1;
	s0 =	sshll.u32 s0, $0x11  }
0xb9: {  	s0 =	sor.u32 s0, s1  }
0xba: {  	s0 =	sadd.s32 $0x8F2B, s0  }
0xbb: {  	[sflag:s0] =	ssyncadd.remote.s32 $0x1  }
0xbc: {  	_ =	sfence.sel $0xFFFF  }
0xbd: {  	[dreg:$0x0] =	wrdreg $0xFFFFFFFF;
	(pc) =	sbr.abs _section_cstart, $3  }
0xbe: {  	[dreg:$0x1] =	wrdreg $0xFFFFFFFF  }
0xbf: {  	_ =	task.clear_ibuf [dreg:s5], $0x2FFFF;
	_ =	strace $0x9FFFFFFF  }
0xc0: {  	(tm) =	ssettm $0x7FFFFFFF  }
0xc1: {  	_ =	shalt  }
tec
execute0_lowered:
.L_overlay_start_1:
0x0: {  	(tag) =	ssettag $0x1  }
0x1: {  	s3 =	rddreg [dreg:$0x0]  }
0x2: {  	s2 =	rddreg [dreg:$0x1];
	s1 =	stileid.u32  }
0x3: {  	s0 =	rddreg [dreg:$0x2];
	s4 =	simm.s32 $0x0;
	s5 =	sshll.u32 s1, $0x9  }
0x4: {  	[smem:$0x7FF] =	sst s4;
	s5 =	sadd.s32 s5, s3  }
0x5: {  	s18 =	simm.s32 $0x1;
	_ =	strace $0x80000047;
	s5 =	sadd.s32 $0xA00, s5  }
0x6: {  	[tilespmem:s4], [sflag:$0x1] =	stream.linear.gather [hbm4b:s5+s4], $0x1000, $0x38;
	[tilespmem:$0x1180] =	vst v63  }
0x7: {  	_ =	swait.ge [sflag:s18], $0x1000  }
0x8: {  	[sflag:s18] =	ssyncset.done $0x0  }
0x9: {  	s6 =	simm.s32 $0x1000;
	[sflag:s18] =	ssyncadd.s32 $0xFFFFF000  }
0xa: {  	[tilespmem:s6], [sflag:$0x1] =	stream.linear.gather [hbm4b:s2+s4], $0x80, $0x38;
	[tilespmem:$0x1180] =	vst v63  }
0xb: {  	_ =	swait.ge [sflag:s18], $0x80  }
0xc: {  	s2 =	sshll.u32 s1, $0x4;
	[sflag:s18] =	ssyncset.done $0x0  }
0xd: {  	s19 =	sand.u32 $0x70, s2;
	[sflag:s18] =	ssyncadd.s32 $0xFFFFFF80  }
0xe: {  	v1 =	vld [tilespmem:s19+$0x1000]  }
0xf: {  	v2 =	vld [tilespmem:$0x1000]  }
0x10: {  	v3 =	vld [tilespmem:$0x1010]  }
0x11: {  	v4 =	vld [tilespmem:$0x1020]  }
0x12: {  	v5 =	vld [tilespmem:$0x1030]  }
0x13: {  	v6 =	vld [tilespmem:$0x1040]  }
0x14: {  	v7 =	vld [tilespmem:$0x1050]  }
0x15: {  	s20 =	sand.u32 $0x800, s4;
	s21 =	sand.u32 $0x380, s4;
	v8 =	vld [tilespmem:$0x1060]  }
0x16: {  	s5 =	sor.u32 s21, s20;
	v9 =	vld [tilespmem:$0x1070]  }
0x17: {  	v0 =	vld [tilespmem:s5+$0x0]  }
0x18: {  	v10 =	vld [tilespmem:s5+$0x10]  }
0x19: {  	v11 =	vmov s4;
	v12 =	vld [tilespmem:s5+$0x20]  }
0x1a: {  	v13 =	vld [tilespmem:s5+$0x30];
	v11 =	vperm.xlane v1, v11  }
0x1b: {  	v14 =	vld [tilespmem:s5+$0x40]  }
0x1c: {  	v15 =	vld [tilespmem:s5+$0x50];
	vm5 =	veq.s32 v2, v11;
	vm6 =	veq.s32 v3, v11  }
0x1d: {  	vm0 =	veq.s32 v4, v11;
	v16 =	vsel vm5, $0x0, v0;
	v17 =	vsel vm6, $0x0, v10;
	v0 =	vld [tilespmem:s5+$0x60]  }
0x1e: {  	vm4 =	veq.s32 v5, v11;
	v18 =	vsel vm0, $0x0, v12;
	v12 =	vld [tilespmem:s5+$0x70];
	v10 =	vmax.f32 v16, v17  }
0x1f: {  	v19 =	vld [tilespmem:s5+$0x400];
	vm7 =	veq.s32 v6, v11;
	v13 =	vsel vm4, $0x0, v13;
	v10 =	vmax.f32 v10, v18  }
0x20: {  	v20 =	vld [tilespmem:s5+$0x410];
	vm3 =	veq.s32 v7, v11;
	v14 =	vsel vm7, $0x0, v14;
	v10 =	vmax.f32 v10, v13  }
0x21: {  	v21 =	vld [tilespmem:s5+$0x420];
	vm2 =	veq.s32 v8, v11;
	v15 =	vsel vm3, $0x0, v15;
	v10 =	vmax.f32 v10, v14  }
0x22: {  	vm1 =	veq.s32 v9, v11;
	v22 =	vsel vm2, $0x0, v0;
	v0 =	vmax.f32 v10, v15;
	v10 =	vld [tilespmem:s5+$0x430]  }
0x23: {  	v11 =	vld [tilespmem:s5+$0x440];
	v24 =	vsel vm1, $0x0, v12;
	v0 =	vmax.f32 v0, v22  }
0x24: {  	v19 =	vsel vm5, $0x0, v19;
	v12 =	vld [tilespmem:s5+$0x450];
	v0 =	vmax.f32 v0, v24  }
0x25: {  	v25 =	vsel vm6, $0x0, v20;
	v20 =	vld [tilespmem:s5+$0x460];
	v0 =	vmax.f32 v0, v19  }
0x26: {  	v28 =	vsel vm0, $0x0, v21;
	v21 =	vld [tilespmem:s5+$0x470];
	v0 =	vmax.f32 v0, v25  }
0x27: {  	v29 =	vsel vm4, $0x0, v10;
	v0 =	vmax.f32 v0, v28  }
0x28: {  	v30 =	vsel vm7, $0x0, v11;
	v0 =	vmax.f32 v0, v29  }
0x29: {  	v31 =	vsel vm3, $0x0, v12;
	v0 =	vmax.f32 v0, v30  }
0x2a: {  	v23 =	vsel vm2, $0x0, v20;
	v0 =	vmax.f32 v0, v31  }
0x2b: {  	v27 =	vsel vm1, $0x0, v21;
	v0 =	vmax.f32 v0, v23  }
0x2c: {  	s24 =	simm.s32 $0x1;
	v0 =	vmax.f32 v0, v27  }
0x2d: {  	v21 =	vmov s24;
	(xrf0) =	vmax.scan.msk.f32 $0xffff, v0  }
0x2e: {  	v33 =	vperm.xlane v1, v21;
	_ =	sdelay $0x1  }
0x2f: {  	s22 =	simm.s32 $0x80;
	s23 =	simm.s32 $0x100;
	vm8 =	veq.s32 v2, v33;
	vm9 =	veq.s32 v3, v33  }
0x30: {  	s4 =	sand.u32 $0x380, s22;
	s5 =	sand.u32 $0x800, s23;
	vm10 =	veq.s32 v7, v33;
	v10 =	vimm.f32 $0.0e+00;
	v0 =	vimm.f32 $1.000000000e+00  }
0x31: {  	s4 =	sor.u32 s4, s5;
	v12 =	vsel vm5, $0x0, v0;
	v20 =	vsel vm6, $0x0, v0;
	v21 =	vsel vm0, $0x0, v0  }
0x32: {  	v11 =	vld [tilespmem:s4+$0x0];
	v35 =	vsel vm4, $0x0, v0;
	v36 =	vsel vm7, $0x0, v0;
	v12 =	vadd.f32 v20, v12;
	v26, _, _ =	vpop (xrf0)  }
0x33: {  	v32 =	vld [tilespmem:s4+$0x10];
	vm4 =	veq.s32 v4, v33;
	vm5 =	veq.s32 v5, v33;
	v34 =	vbroadcast v26, $0xF  }
0x34: {  	v55 =	vld [tilespmem:s4+$0x50];
	vm7 =	veq.s32 v6, v33;
	vm6 =	veq.s32 v8, v33;
	v37 =	vadd.f32 v12, v21  }
0x35: {  	vm0 =	veq.s32 v9, v33;
	v52 =	vsel vm9, $0x0, v0;
	v20 =	vld [tilespmem:s4+$0x20];
	v12 =	vsub.f32 v16, v34  }
0x36: {  	v53 =	vsel vm4, $0x0, v0;
	v54 =	vsel vm5, $0x0, v0;
	v49 =	vadd.f32 v37, v35  }
0x37: {  	v38 =	vld [tilespmem:s4+$0x30];
	v26 =	vsel vm8, $0x0, v11;
	v17 =	vsub.f32 v17, v34;
	v11 =	vmul.f32 $1.442695020e+00, v12  }
0x38: {  	v21 =	vsel vm9, $0x0, v32;
	v16 =	vld [tilespmem:s4+$0x40];
	v18 =	vsub.f32 v18, v34;
	v13 =	vsub.f32 v13, v34  }
0x39: {  	v57 =	vsub.f32 v14, v34;
	v17 =	vmul.f32 $1.442695020e+00, v17;
	(erf) = vpow2.f32 v11  }
0x3a: {  	v14 =	vsel vm10, $0x0, v55;
	v15 =	vsub.f32 v15, v34;
	v12 =	vsel vm4, $0x0, v20  }
0x3b: {  	v39 =	vld [tilespmem:s4+$0x60];
	v20 =	vmax.f32 v26, v21;
	v18 =	vmul.f32 $1.442695020e+00, v18;
	(erf) = vpow2.f32 v17  }
0x3c: {  	v13 =	vmul.f32 $1.442695020e+00, v13;
	v56 =	vmax.f32 v20, v12;
	v11 =	vsel vm5, $0x0, v38;
	v17 =	vld [tilespmem:s4+$0x70]  }
0x3d: {  	v20 =	vsel vm7, $0x0, v16;
	v16 =	vmax.f32 v56, v11;
	(erf) = vpow2.f32 v18  }
0x3e: {  	v22 =	vsub.f32 v22, v34;
	v24 =	vsub.f32 v24, v34;
	v16 =	vmax.f32 v16, v20;
	v18 =	vld [tilespmem:s4+$0x400]  }
0x3f: {  	v58 =	vmul.f32 $1.442695020e+00, v57;
	(erf) = vpow2.f32 v13;
	v16 =	vmax.f32 v16, v14  }
0x40: {  	v19 =	vsub.f32 v19, v34;
	v60 =	vmul.f32 $1.442695020e+00, v15;
	v13 =	vsel vm6, $0x0, v39  }
0x41: {  	v59 =	vld [tilespmem:s4+$0x410];
	(erf) = vpow2.f32 v58;
	v15 =	vsel vm0, $0x0, v17;
	v17 =	vmax.f32 v16, v13  }
0x42: {  	v25 =	vsub.f32 v25, v34;
	v22 =	vmul.f32 $1.442695020e+00, v22;
	v16 =	vpop (erf);
	(erf) = vpow2.f32 v60  }
0x43: {  	v62 =	vadd.f32 v16, v10;
	v16 =	vsel vm8, $0x0, v18;
	v18 =	vmax.f32 v17, v15  }
0x44: {  	v61 =	vld [tilespmem:s4+$0x420];
	v28 =	vsub.f32 v28, v34;
	v29 =	vsub.f32 v29, v34;
	v24 =	vmul.f32 $1.442695020e+00, v24;
	v17 =	vpop (erf)  }
0x45: {  	v42 =	vld [tilespmem:s4+$0x430];
	(erf) = vpow2.f32 v22;
	v22 =	vmax.f32 v18, v16;
	v63 =	vadd.f32 v62, v17  }
0x46: {  	v30 =	vsub.f32 v30, v34;
	v19 =	vmul.f32 $1.442695020e+00, v19;
	v17 =	vsel vm9, $0x0, v59;
	v18 =	vpop (erf)  }
0x47: {  	(erf) = vpow2.f32 v24;
	v24 =	vmax.f32 v22, v17;
	v43 =	vadd.f32 v63, v18  }
0x48: {  	v44 =	vld [tilespmem:s4+$0x440];
	v31 =	vsub.f32 v31, v34;
	v25 =	vmul.f32 $1.442695020e+00, v25;
	v28 =	vmul.f32 $1.442695020e+00, v28;
	v22 =	vpop (erf)  }
0x49: {  	v46 =	vld [tilespmem:s4+$0x450];
	v18 =	vsel vm4, $0x0, v61;
	(erf) = vpow2.f32 v19;
	v45 =	vadd.f32 v43, v22  }
0x4a: {  	v29 =	vmul.f32 $1.442695020e+00, v29;
	v19 =	vmax.f32 v24, v18;
	v22 =	vsel vm5, $0x0, v42;
	v24 =	vpop (erf)  }
0x4b: {  	v47 =	vld [tilespmem:s4+$0x460];
	(erf) = vpow2.f32 v25;
	v19 =	vmax.f32 v19, v22;
	v32 =	vadd.f32 v45, v24  }
0x4c: {  	v48 =	vld [tilespmem:s4+$0x470];
	v27 =	vsub.f32 v27, v34;
	v30 =	vmul.f32 $1.442695020e+00, v30;
	v31 =	vmul.f32 $1.442695020e+00, v31;
	v25 =	vpop (erf)  }
0x4d: {  	v24 =	vsel vm7, $0x0, v44;
	(erf) = vpow2.f32 v28;
	v32 =	vadd.f32 v32, v25  }
0x4e: {  	v27 =	vmul.f32 $1.442695020e+00, v27;
	v28 =	vmax.f32 v19, v24;
	v25 =	vsel vm10, $0x0, v46;
	v19 =	vpop (erf)  }
0x4f: {  	(erf) = vpow2.f32 v29;
	v29 =	vsub.f32 v23, v34;
	v32 =	vadd.f32 v32, v19  }
0x50: {  	v34 =	vsel vm7, $0x0, v0;
	v28 =	vmax.f32 v28, v25;
	v19 =	vsel vm6, $0x0, v47;
	v23 =	vpop (erf)  }
0x51: {  	v28 =	vmax.f32 v28, v19;
	v32 =	vadd.f32 v32, v23;
	v23 =	vsel vm0, $0x0, v48  }
0x52: {  	(erf) = vpow2.f32 v30;
	v29 =	vmul.f32 $1.442695020e+00, v29;
	v30 =	vpop (erf);
	v28 =	vmax.f32 v28, v23  }
0x53: {  	(erf) = vpow2.f32 v31;
	v30 =	vadd.f32 v32, v30;
	(xrf0) =	vmax.scan.msk.f32 $0xffff, v28;
	v32 =	vadd.f32 v49, v36  }
0x54: {  	v31 =	vsel vm3, $0x0, v0;
	v50 =	vpop (erf);
	(erf) = vpow2.f32 v29;
	v29 =	vsel vm2, $0x0, v0  }
0x55: {  	v28 =	vadd.f32 v30, v50;
	v30 =	vsel vm8, $0x0, v0;
	v32 =	vadd.f32 v32, v31  }
0x56: {  	s28 =	simm.s32 $0x2;
	v51 =	vpop (erf);
	(erf) = vpow2.f32 v27;
	v27 =	vsel vm1, $0x0, v0;
	v30 =	vadd.f32 v52, v30  }
0x57: {  	v28 =	vadd.f32 v28, v51;
	v32 =	vadd.f32 v32, v29;
	v29 =	vmov s28  }
0x58: {  	s25 =	simm.s32 $0x100;
	s26 =	simm.s32 $0x200;
	v31 =	vpop (erf);
	v30 =	vadd.f32 v30, v53;
	v59 =	vperm.xlane v1, v29;
	v29 =	vsel vm6, $0x0, v0  }
0x59: {  	s5 =	sand.u32 $0x800, s26;
	s4 =	sand.u32 $0x380, s25;
	v28 =	vadd.f32 v28, v31;
	v31 =	vsel vm10, $0x0, v0;
	v58, _, _ =	vpop (xrf0);
	v40 =	vadd.f32 v32, v27  }
0x5a: {  	s4 =	sor.u32 s4, s5;
	v35 =	vadd.f32 v30, v54;
	v38 =	vbroadcast v58, $0xF;
	vm6 =	veq.s32 v2, v59  }
0x5b: {  	v63 =	vld [tilespmem:s4+$0x40];
	v56 =	vpop (erf);
	vm3 =	veq.s32 v3, v59;
	vm1 =	veq.s32 v4, v59;
	vm2 =	veq.s32 v5, v59  }
0x5c: {  	vm4 =	veq.s32 v6, v59;
	v28 =	vadd.f32 v28, v56;
	v40 =	vadd.f32 v40, v40  }
0x5d: {  	v57 =	vld [tilespmem:s4+$0x10];
	vm5 =	veq.s32 v7, v59;
	v61 =	vsub.f32 v26, v38;
	v21 =	vsub.f32 v21, v38  }
0x5e: {  	vm7 =	veq.s32 v8, v59;
	v12 =	vsub.f32 v12, v38;
	v11 =	vsub.f32 v11, v38  }
0x5f: {  	v30 =	vpop (erf);
	v20 =	vsub.f32 v20, v38;
	v14 =	vsub.f32 v14, v38;
	v32 =	vmul.f32 $1.442695020e+00, v61  }
0x60: {  	v55 =	vld [tilespmem:s4+$0x0];
	v33 =	vsel vm4, $0x0, v63;
	v13 =	vsub.f32 v13, v38;
	v27 =	vadd.f32 v28, v30;
	v28 =	vpop (erf)  }
0x61: {  	v42 =	vld [tilespmem:s4+$0x60];
	v15 =	vsub.f32 v15, v38;
	v21 =	vmul.f32 $1.442695020e+00, v21;
	v62 =	vpop (erf);
	(erf) = vpow2.f32 v32  }
0x62: {  	v60 =	vld [tilespmem:s4+$0x20];
	v26 =	vsel vm3, $0x0, v57;
	v16 =	vsub.f32 v16, v38;
	v17 =	vsub.f32 v17, v38  }
0x63: {  	v18 =	vsub.f32 v18, v38;
	v30 =	vld [tilespmem:s4+$0x30];
	v12 =	vmul.f32 $1.442695020e+00, v12;
	(erf) = vpow2.f32 v21  }
0x64: {  	v46 =	vld [tilespmem:s4+$0x50];
	v22 =	vsub.f32 v22, v38;
	v11 =	vmul.f32 $1.442695020e+00, v11;
	v48 =	vmul.f32 $1.442695020e+00, v20  }
0x65: {  	v27 =	vadd.f32 v27, v28;
	v28 =	vsel vm6, $0x0, v55;
	v21 =	vld [tilespmem:s4+$0x400];
	(erf) = vpow2.f32 v12  }
0x66: {  	v20 =	vsel vm7, $0x0, v42;
	v14 =	vmul.f32 $1.442695020e+00, v14;
	v45 =	vmax.f32 v28, v26  }
0x67: {  	v43 =	vld [tilespmem:s4+$0x70];
	v41 =	vadd.f32 v27, v62;
	v27 =	vsel vm1, $0x0, v60;
	(erf) = vpow2.f32 v11  }
0x68: {  	v13 =	vmul.f32 $1.442695020e+00, v13;
	v32 =	vsel vm2, $0x0, v30;
	v30 =	vmax.f32 v45, v27  }
0x69: {  	v11 =	vsel vm6, $0x0, v0;
	v47 =	vmax.f32 v30, v32;
	(erf) = vpow2.f32 v48  }
0x6a: {  	v30 =	vsel vm5, $0x0, v46;
	v37 =	vmax.f32 v47, v33;
	v12 =	vsel vm6, $0x0, v21;
	v51 =	vpop (erf)  }
0x6b: {  	vm6 =	veq.s32 v9, v59;
	(erf) = vpow2.f32 v14;
	v39 =	vadd.f32 v51, v41  }
0x6c: {  	v15 =	vmul.f32 $1.442695020e+00, v15;
	v49 =	vmax.f32 v37, v30;
	v21 =	vsel vm6, $0x0, v43;
	v14 =	vpop (erf)  }
0x6d: {  	v53 =	vld [tilespmem:s4+$0x430];
	v36 =	vmax.f32 v49, v20;
	(erf) = vpow2.f32 v13;
	v39 =	vadd.f32 v39, v14  }
0x6e: {  	v50 =	vld [tilespmem:s4+$0x410];
	v24 =	vsub.f32 v24, v38;
	v16 =	vmul.f32 $1.442695020e+00, v16;
	v36 =	vmax.f32 v36, v21;
	v54 =	vpop (erf)  }
0x6f: {  	v52 =	vld [tilespmem:s4+$0x420];
	v13 =	vmax.f32 v36, v12;
	(erf) = vpow2.f32 v15;
	v36 =	vadd.f32 v39, v54  }
0x70: {  	v57 =	vld [tilespmem:s4+$0x450];
	v25 =	vsub.f32 v25, v38;
	v63 =	vsub.f32 v19, v38;
	v58 =	vmul.f32 $1.442695020e+00, v17;
	v56 =	vpop (erf)  }
0x71: {  	(xrf2) =	vadd.scan.msk.f32 $0xffff, v40;
	v18 =	vmul.f32 $1.442695020e+00, v18;
	v55 =	vld [tilespmem:s4+$0x440];
	(erf) = vpow2.f32 v16;
	v36 =	vadd.f32 v36, v56  }
0x72: {  	v17 =	vsel vm2, $0x0, v53;
	v22 =	vmul.f32 $1.442695020e+00, v22;
	v24 =	vmul.f32 $1.442695020e+00, v24;
	v16 =	vpop (erf)  }
0x73: {  	v59 =	vld [tilespmem:s4+$0x460];
	v14 =	vsel vm3, $0x0, v50;
	(erf) = vpow2.f32 v58;
	v36 =	vadd.f32 v36, v16  }
0x74: {  	v61 =	vld [tilespmem:s4+$0x470];
	v25 =	vmul.f32 $1.442695020e+00, v25;
	v15 =	vsel vm1, $0x0, v52;
	v13 =	vmax.f32 v13, v14;
	v60 =	vpop (erf)  }
0x75: {  	v13 =	vmax.f32 v13, v15;
	(erf) = vpow2.f32 v18;
	v36 =	vadd.f32 v36, v60  }
0x76: {  	v13 =	vmax.f32 v13, v17;
	v16 =	vsel vm4, $0x0, v55;
	v18 =	vsel vm5, $0x0, v57;
	v62 =	vpop (erf)  }
0x77: {  	v13 =	vmax.f32 v13, v16;
	(erf) = vpow2.f32 v22;
	v36 =	vadd.f32 v36, v62  }
0x78: {  	v22 =	vsel vm7, $0x0, v59;
	v13 =	vmax.f32 v13, v18;
	v19 =	vpop (erf);
	(erf) = vpow2.f32 v24  }
0x79: {  	v13 =	vmax.f32 v13, v22;
	v36 =	vadd.f32 v36, v19;
	v19 =	vsel vm6, $0x0, v61  }
0x7a: {  	v23 =	vsub.f32 v23, v38;
	v42 =	vmul.f32 $1.442695020e+00, v63;
	v24 =	vpop (erf);
	v13 =	vmax.f32 v13, v19  }
0x7b: {  	v43 =	vsel vm3, $0x0, v0;
	v47, _, _ =	vpop (xrf2);
	(erf) = vpow2.f32 v25;
	v24 =	vadd.f32 v36, v24;
	(xrf0) =	vmax.scan.msk.f32 $0xffff, v13  }
0x7c: {  	v23 =	vmul.f32 $1.442695020e+00, v23;
	v11 =	vadd.f32 v43, v11;
	v25 =	vadd.f32 v35, v34;
	v44 =	vpop (erf)  }
0x7d: {  	v45 =	vsel vm1, $0x0, v0;
	(v2sf) =	vpush v47, $0xF;
	v13 =	vadd.f32 v24, v44  }
0x7e: {  	v11 =	vadd.f32 v11, v45;
	(erf) = vpow2.f32 v42;
	v25 =	vadd.f32 v25, v31;
	v31 =	vpop (erf)  }
0x7f: {  	(erf) = vpow2.f32 v23;
	v23 =	vsel vm2, $0x0, v0;
	v13 =	vadd.f32 v13, v31  }
0x80: {  	v25 =	vadd.f32 v25, v29;
	v46 =	vpop (erf);
	v11 =	vadd.f32 v11, v23  }
0x81: {  	v24 =	vsel vm0, $0x0, v0;
	v31 =	vsel vm4, $0x0, v0;
	v34 =	vadd.f32 v13, v46;
	v51, _, _ =	vpop (xrf0)  }
0x82: {  	v24 =	vadd.f32 v25, v24;
	v23 =	vpop (erf);
	v25 =	vadd.f32 v11, v31;
	v31 =	vbroadcast v51, $0xF  }
0x83: {  	s7 =	simm.s32 $0x300;
	s31 =	simm.s32 $0x3;
	s6 =	simm.s32 $0x180;
	v10 =	vadd.f32 v40, v10;
	v52 =	vadd.f32 v34, v23  }
0x84: {  	s29 =	sand.u32 $0x800, s7;
	s30 =	sand.u32 $0x380, s6;
	v48 =	vsel vm5, $0x0, v0;
	v49 =	vmov s31;
	v11 =	vpop (erf);
	v28 =	vsub.f32 v28, v31  }
0x85: {  	s8 =	sor.u32 s30, s29;
	v13 =	vsel vm7, $0x0, v0;
	v54 =	vadd.f32 v52, v11;
	v11 =	vadd.f32 v24, v24  }
0x86: {  	v53 =	vld [tilespmem:s8+$0x20];
	v34 =	vperm.xlane v1, v49;
	v58 =	vsub.f32 v26, v31;
	v27 =	vsub.f32 v27, v31  }
0x87: {  	v29 =	vld [tilespmem:s8+$0x0];
	v23 =	vsel vm6, $0x0, v0;
	v32 =	vsub.f32 v32, v31;
	v63 =	vsub.f32 v33, v31;
	(xrf2) =	vadd.scan.msk.f32 $0xffff, v11  }
0x88: {  	v50 =	vld [tilespmem:s8+$0x10];
	v40 =	vsub.f32 v30, v31;
	vm0 =	veq.s32 v2, v34;
	v24 =	vadd.f32 v25, v48  }
0x89: {  	v57 =	vld [tilespmem:s8+$0x40];
	vm2 =	veq.s32 v3, v34;
	vm1 =	veq.s32 v4, v34;
	v28 =	vmul.f32 $1.442695020e+00, v28  }
0x8a: {  	v55 =	vld [tilespmem:s8+$0x30];
	vm3 =	veq.s32 v5, v34;
	vm5 =	veq.s32 v6, v34;
	vm4 =	veq.s32 v7, v34  }
0x8b: {  	v60 =	vld [tilespmem:s8+$0x50];
	vm6 =	veq.s32 v8, v34;
	v39 =	vmul.f32 $1.442695020e+00, v58;
	(erf) = vpow2.f32 v28  }
0x8c: {  	v25 =	vpop (erf);
	v29 =	vsel vm0, $0x0, v29;
	v26 =	vsel vm1, $0x0, v53;
	v62 =	vmul.f32 $1.442695020e+00, v27  }
0x8d: {  	v38 =	vld [tilespmem:s8+$0x60];
	v35 =	vadd.f32 v54, v25;
	v25 =	vsel vm2, $0x0, v50;
	(erf) = vpow2.f32 v39  }
0x8e: {  	v27 =	vsel vm5, $0x0, v57;
	v32 =	vmul.f32 $1.442695020e+00, v32;
	v59 =	vmax.f32 v29, v25  }
0x8f: {  	v37 =	vld [tilespmem:s8+$0x70];
	v56 =	vpop (erf);
	v28 =	vsel vm3, $0x0, v55;
	v61 =	vmax.f32 v59, v26;
	(erf) = vpow2.f32 v62  }
0x90: {  	s9 =	simm.s32 $0x4;
	s3 =	sadd.s32 $0x2A00, s3;
	v33 =	vsel vm4, $0x0, v60;
	v41 =	vmul.f32 $1.442695020e+00, v63;
	v36 =	vmax.f32 v61, v28  }
0x91: {  	s5 =	simm.f32 $0.0e+00;
	s4 =	simm.f32 $1.000000000e+00;
	s10 =	spop (v2sf);
	v35 =	vadd.f32 v35, v56;
	v39 =	vmax.f32 v36, v27;
	v36 =	vld [tilespmem:s8+$0x400];
	(erf) = vpow2.f32 v32;
	v30, _, _ =	vpop (xrf2)  }
.LBB2_1:
0x92: {  	p0 =	sne.s32 s9, $0xF;
	vm7 =	veq.s32 v9, v34;
	v34 =	vsel vm6, $0x0, v38;
	v38 =	vmax.f32 v39, v33;
	p1 =	sgt.f32 s10, $0.0e+00;
	v32 =	vmovc v33  }
0x93: {  	s10 =	simm.f32 $1.000000000e+00;
	v33 =	vld [tilespmem:s8+$0x410];
	v39 =	vmul.f32 $1.442695020e+00, v40;
	v40 =	vsub.f32 v20, v31;
	(erf) = vpow2.f32 v41;
	v20 =	vmovc v34  }
0x94: {  	v34 =	vmax.f32 v38, v20;
	v38 =	vsub.f32 v21, v31;
	v21 =	vsel vm7, $0x0, v37;
	v37 =	vpop (erf);
	s10 =	simm.s32 @!p1 $0x0  }
0x95: {  	v41 =	vld [tilespmem:s8+$0x420];
	v35 =	vadd.f32 v37, v35;
	v37 =	vmul.f32 $1.442695020e+00, v40;
	(erf) = vpow2.f32 v39;
	s5 =	sadd.f32 s10, s5  }
0x96: {  	v34 =	vmax.f32 v34, v21;
	v39 =	vsub.f32 v12, v31;
	v12 =	vsel vm0, $0x0, v36;
	v36 =	vpop (erf)  }
0x97: {  	v40 =	vld [tilespmem:s8+$0x430];
	v35 =	vadd.f32 v35, v36;
	v36 =	vmul.f32 $1.442695020e+00, v38;
	(erf) = vpow2.f32 v37  }
0x98: {  	v34 =	vmax.f32 v34, v12;
	v37 =	vsub.f32 v14, v31;
	v14 =	vsel vm2, $0x0, v33;
	v33 =	vpop (erf)  }
0x99: {  	v38 =	vld [tilespmem:s8+$0x440];
	v33 =	vadd.f32 v35, v33;
	v35 =	vmul.f32 $1.442695020e+00, v39;
	(erf) = vpow2.f32 v36  }
0x9a: {  	v34 =	vmax.f32 v34, v14;
	v36 =	vsub.f32 v15, v31;
	v15 =	vsel vm1, $0x0, v41;
	v39 =	vpop (erf)  }
0x9b: {  	v37 =	vmul.f32 $1.442695020e+00, v37;
	v41 =	vld [tilespmem:s8+$0x450];
	v33 =	vadd.f32 v33, v39;
	(erf) = vpow2.f32 v35  }
0x9c: {  	v34 =	vmax.f32 v34, v15;
	v35 =	vsub.f32 v17, v31;
	v17 =	vsel vm3, $0x0, v40;
	v39 =	vpop (erf)  }
0x9d: {  	v36 =	vmul.f32 $1.442695020e+00, v36;
	v40 =	vld [tilespmem:s8+$0x460];
	v33 =	vadd.f32 v33, v39;
	(erf) = vpow2.f32 v37  }
0x9e: {  	v34 =	vmax.f32 v34, v17;
	v37 =	vsub.f32 v16, v31;
	v16 =	vsel vm5, $0x0, v38;
	v38 =	vpop (erf)  }
0x9f: {  	v35 =	vmul.f32 $1.442695020e+00, v35;
	v39 =	vld [tilespmem:s8+$0x470];
	v33 =	vadd.f32 v33, v38;
	(erf) = vpow2.f32 v36  }
0xa0: {  	v34 =	vmax.f32 v34, v16;
	v36 =	vsub.f32 v18, v31;
	v18 =	vsel vm4, $0x0, v41;
	v38 =	vpop (erf)  }
0xa1: {  	v41 =	vmul.f32 $1.442695020e+00, v37;
	v33 =	vadd.f32 v33, v38;
	(erf) = vpow2.f32 v35  }
0xa2: {  	v34 =	vmax.f32 v34, v18;
	v35 =	vsub.f32 v22, v31;
	v22 =	vsel vm6, $0x0, v40;
	v38 =	vpop (erf)  }
0xa3: {  	v36 =	vmul.f32 $1.442695020e+00, v36;
	v33 =	vadd.f32 v33, v38;
	(erf) = vpow2.f32 v41  }
0xa4: {  	v31 =	vsub.f32 v19, v31;
	v34 =	vmax.f32 v34, v22;
	v19 =	vsel vm7, $0x0, v39;
	v37 =	vpop (erf)  }
0xa5: {  	v35 =	vmul.f32 $1.442695020e+00, v35;
	v33 =	vadd.f32 v33, v37;
	(erf) = vpow2.f32 v36  }
0xa6: {  	v39 =	vsel vm2, $0x0, v0;
	v34 =	vmax.f32 v34, v19;
	v36 =	vsel vm0, $0x0, v0;
	v38 =	vpop (erf)  }
0xa7: {  	v31 =	vmul.f32 $1.442695020e+00, v31;
	(xrf0) =	vmax.scan.msk.f32 $0xffff, v34;
	v33 =	vadd.f32 v33, v38;
	(erf) = vpow2.f32 v35  }
0xa8: {  	v34 =	vadd.f32 v39, v36;
	v35 =	vsel vm1, $0x0, v0;
	v36 =	vsel vm3, $0x0, v0;
	v37 =	vpop (erf)  }
0xa9: {  	s6 =	sadd.s32 $0x80, s6;
	s7 =	sadd.s32 $0x100, s7;
	v38 =	vsel vm5, $0x0, v0;
	v33 =	vadd.f32 v33, v37;
	(erf) = vpow2.f32 v31  }
0xaa: {  	s10 =	sand.u32 $0x380, s6;
	s8 =	sand.u32 $0x800, s7;
	v40 =	vsel vm6, $0x0, v0;
	v31 =	vadd.f32 v34, v35;
	v35 =	vsel vm4, $0x0, v0;
	v37 =	vpop (erf)  }
0xab: {  	v24 =	vadd.f32 v24, v13;
	s8 =	sor.u32 s10, s8;
	v13 =	vmovc v40;
	v39 =	vsel vm7, $0x0, v0;
	v33 =	vadd.f32 v33, v37  }
0xac: {  	v31 =	vadd.f32 v31, v36;
	v37 =	vld [tilespmem:s8+$0x0];
	v34 =	vpop (erf);
	(v2sf) =	vpush v30, $0xF  }
0xad: {  	v42 =	vadd.f32 v24, v23;
	v41 =	vmov s9;
	v36 =	vld [tilespmem:s8+$0x10];
	v40, _, _ =	vpop (xrf0);
	v43 =	vadd.f32 v33, v34  }
0xae: {  	v10 =	vadd.f32 v11, v10;
	v34 =	vperm.xlane v1, v41;
	v24 =	vadd.f32 v31, v38;
	v30 =	vpop (erf)  }
0xaf: {  	v11 =	vadd.f32 v42, v42;
	v23 =	vmovc v39;
	v31 =	vbroadcast v40, $0xF;
	v38 =	vld [tilespmem:s8+$0x20];
	v30 =	vadd.f32 v43, v30  }
0xb0: {  	vm0 =	veq.s32 v2, v34;
	v24 =	vadd.f32 v24, v35;
	v33 =	vpop (erf)  }
0xb1: {  	vm2 =	veq.s32 v3, v34;
	v35 =	vsub.f32 v29, v31;
	v39 =	vld [tilespmem:s8+$0x30];
	v30 =	vadd.f32 v30, v33;
	(xrf2) =	vadd.scan.msk.f32 $0xffff, v11  }
0xb2: {  	vm1 =	veq.s32 v4, v34;
	v29 =	vsel vm0, $0x0, v37;
	v33 =	vsel vm2, $0x0, v36;
	v36 =	vpop (erf)  }
0xb3: {  	v41 =	vsub.f32 v25, v31;
	v40 =	vmul.f32 $1.442695020e+00, v35;
	v37 =	vld [tilespmem:s8+$0x40];
	v35 =	vadd.f32 v30, v36;
	v25 =	vmovc v33  }
0xb4: {  	vm3 =	veq.s32 v5, v34;
	v30 =	vsel vm1, $0x0, v38;
	v33 =	vmax.f32 v29, v25  }
0xb5: {  	v42 =	vsub.f32 v26, v31;
	v41 =	vmul.f32 $1.442695020e+00, v41;
	v36 =	vld [tilespmem:s8+$0x50];
	(erf) = vpow2.f32 v40;
	v26 =	vmovc v30  }
0xb6: {  	vm5 =	veq.s32 v6, v34;
	v30 =	vsel vm3, $0x0, v39;
	v33 =	vmax.f32 v33, v26  }
.Ltmp0:
0xb7: {  	v40 =	vsub.f32 v28, v31;
	v39 =	vmul.f32 $1.442695020e+00, v42;
	v38 =	vld [tilespmem:s8+$0x60];
	(erf) = vpow2.f32 v41;
	v28 =	vmovc v30;
	(pc) =	sbr.rel @p0 .LBB2_1-.Ltmp0, $4  }
0xb8: {  	vm4 =	veq.s32 v7, v34;
	v30 =	vsel vm5, $0x0, v37;
	v41 =	vmax.f32 v33, v28  }
0xb9: {  	v42 =	vmul.f32 $1.442695020e+00, v40;
	v40 =	vsub.f32 v27, v31;
	v37 =	vld [tilespmem:s8+$0x70];
	(erf) = vpow2.f32 v39;
	v27 =	vmovc v30  }
0xba: {  	vm6 =	veq.s32 v8, v34;
	v33 =	vsel vm4, $0x0, v36;
	v39 =	vmax.f32 v41, v27  }
0xbb: {  	s9 =	sadd.s32 $0x1, s9;
	v41 =	vmul.f32 $1.442695020e+00, v40;
	v40 =	vsub.f32 v32, v31;
	v36 =	vld [tilespmem:s8+$0x400];
	(erf) = vpow2.f32 v42;
	v30, _, _ =	vpop (xrf2);
	s10 =	spop (v2sf)  }
0xbc: {  	vm7 =	veq.s32 v9, v34;
	v6 =	vsub.f32 v20, v31;
	v53 =	vsub.f32 v21, v31  }
0xbd: {  	v2 =	vsel vm6, $0x0, v38;
	v4 =	vld [tilespmem:s8+$0x410];
	v55 =	vsub.f32 v12, v31;
	v61 =	vsub.f32 v14, v31  }
0xbe: {  	v3 =	vmax.f32 v39, v33;
	v54 =	vld [tilespmem:s8+$0x420];
	v15 =	vsub.f32 v15, v31;
	v17 =	vsub.f32 v17, v31  }
0xbf: {  	v57 =	vld [tilespmem:s8+$0x430];
	(erf) = vpow2.f32 v41;
	v5 =	vmul.f32 $1.442695020e+00, v40;
	v3 =	vmax.f32 v3, v2  }
0xc0: {  	v58 =	vld [tilespmem:s8+$0x440];
	v1 =	vpop (erf);
	v7 =	vsel vm7, $0x0, v37;
	v6 =	vmul.f32 $1.442695020e+00, v6;
	v9 =	vmul.f32 $1.442695020e+00, v53  }
0xc1: {  	v12 =	vmul.f32 $1.442695020e+00, v61;
	v1 =	vadd.f32 v1, v35;
	v3 =	vmax.f32 v3, v7  }
0xc2: {  	v60 =	vld [tilespmem:s8+$0x450];
	v8 =	vpop (erf);
	(erf) = vpow2.f32 v5;
	v20 =	vsel vm0, $0x0, v36;
	v5 =	vmul.f32 $1.442695020e+00, v55  }
0xc3: {  	v63 =	vld [tilespmem:s8+$0x460];
	v1 =	vadd.f32 v1, v8;
	v4 =	vsel vm2, $0x0, v4;
	v3 =	vmax.f32 v3, v20  }
0xc4: {  	v32 =	vld [tilespmem:s8+$0x470];
	v8 =	vsel vm1, $0x0, v54;
	v56 =	vpop (erf);
	(erf) = vpow2.f32 v6;
	v3 =	vmax.f32 v3, v4  }
0xc5: {  	v21 =	vsel vm3, $0x0, v57;
	v6 =	vsel vm5, $0x0, v58;
	v3 =	vmax.f32 v3, v8  }
0xc6: {  	v1 =	vadd.f32 v1, v56;
	v59 =	vpop (erf);
	(erf) = vpow2.f32 v9;
	v3 =	vmax.f32 v3, v21  }
0xc7: {  	v9 =	vsel vm4, $0x0, v60;
	(erf) = vpow2.f32 v5;
	v3 =	vmax.f32 v3, v6  }
0xc8: {  	v14 =	vsel vm6, $0x0, v63;
	v1 =	vadd.f32 v1, v59;
	v3 =	vmax.f32 v3, v9  }
0xc9: {  	v15 =	vmul.f32 $1.442695020e+00, v15;
	v5 =	vsel vm7, $0x0, v32;
	v62 =	vpop (erf);
	v3 =	vmax.f32 v3, v14  }
0xca: {  	(erf) = vpow2.f32 v12;
	v1 =	vadd.f32 v1, v62;
	v3 =	vmax.f32 v3, v5  }
0xcb: {  	v34 =	vsub.f32 v16, v31;
	v35 =	vpop (erf);
	(xrf0) =	vmax.scan.msk.f32 $0xffff, v3  }
0xcc: {  	v36 =	vmul.f32 $1.442695020e+00, v17;
	(erf) = vpow2.f32 v15;
	v1 =	vadd.f32 v1, v35  }
0xcd: {  	v37 =	vsub.f32 v18, v31;
	v38 =	vpop (erf)  }
0xce: {  	v12 =	vmul.f32 $1.442695020e+00, v34;
	(erf) = vpow2.f32 v36;
	v1 =	vadd.f32 v1, v38  }
0xcf: {  	v39 =	vsub.f32 v22, v31;
	v40 =	vpop (erf)  }
0xd0: {  	v3 =	vmul.f32 $1.442695020e+00, v37;
	(erf) = vpow2.f32 v12;
	v1 =	vadd.f32 v1, v40;
	v41 =	vpop (erf)  }
0xd1: {  	v44 =	vsub.f32 v19, v31;
	v42 =	vmul.f32 $1.442695020e+00, v39;
	v43, _, _ =	vpop (xrf0)  }
0xd2: {  	(erf) = vpow2.f32 v3;
	v1 =	vadd.f32 v1, v41;
	v3 =	vbroadcast v43, $0xF  }
0xd3: {  	v46 =	vmul.f32 $1.442695020e+00, v44;
	v45 =	vpop (erf)  }
0xd4: {  	(erf) = vpow2.f32 v42;
	v1 =	vadd.f32 v1, v45;
	v48 =	vsub.f32 v29, v3  }
0xd5: {  	v13 =	vadd.f32 v24, v13;
	v47 =	vpop (erf);
	(erf) = vpow2.f32 v46  }
0xd6: {  	v51 =	vsub.f32 v25, v3;
	v1 =	vadd.f32 v1, v47;
	v50 =	vmul.f32 $1.442695020e+00, v48  }
0xd7: {  	v13 =	vadd.f32 v13, v23;
	v53 =	vsub.f32 v26, v3;
	v49 =	vpop (erf)  }
0xd8: {  	v16 =	vmul.f32 $1.442695020e+00, v51;
	v1 =	vadd.f32 v1, v49;
	(erf) = vpow2.f32 v50  }
0xd9: {  	v13 =	vadd.f32 v13, v13;
	v56 =	vsub.f32 v28, v3;
	v52 =	vpop (erf)  }
0xda: {  	v55 =	vmul.f32 $1.442695020e+00, v53;
	(erf) = vpow2.f32 v16;
	v1 =	vadd.f32 v1, v52  }
0xdb: {  	v57 =	vsel vm0, $0x0, v0;
	v58 =	vsel vm2, $0x0, v0;
	v60 =	vsub.f32 v27, v3;
	v54 =	vpop (erf)  }
0xdc: {  	v17 =	vmul.f32 $1.442695020e+00, v56;
	(erf) = vpow2.f32 v55;
	v1 =	vadd.f32 v1, v54  }
0xdd: {  	v61 =	vadd.f32 v58, v57;
	v62 =	vsel vm1, $0x0, v0;
	v22 =	vsub.f32 v33, v3;
	v59 =	vpop (erf)  }
0xde: {  	v63 =	vmul.f32 $1.442695020e+00, v60;
	(erf) = vpow2.f32 v17;
	v1 =	vadd.f32 v1, v59  }
0xdf: {  	v15 =	vadd.f32 v61, v62;
	v25 =	vsel vm3, $0x0, v0;
	v2 =	vsub.f32 v2, v3;
	v26 =	vpop (erf)  }
0xe0: {  	v27 =	vmul.f32 $1.442695020e+00, v22;
	(erf) = vpow2.f32 v63;
	v1 =	vadd.f32 v1, v26  }
0xe1: {  	v28 =	vsel vm5, $0x0, v0;
	v7 =	vsub.f32 v7, v3;
	v15 =	vadd.f32 v15, v25;
	v29 =	vpop (erf)  }
0xe2: {  	v2 =	vmul.f32 $1.442695020e+00, v2;
	(erf) = vpow2.f32 v27;
	v1 =	vadd.f32 v29, v1  }
0xe3: {  	v32 =	vsel vm4, $0x0, v0;
	v33 =	vsub.f32 v20, v3;
	v12 =	vadd.f32 v15, v28;
	v31 =	vpop (erf)  }
0xe4: {  	v7 =	vmul.f32 $1.442695020e+00, v7;
	(erf) = vpow2.f32 v2;
	v1 =	vadd.f32 v1, v31  }
0xe5: {  	v38 =	vsel vm6, $0x0, v0;
	v35 =	vsub.f32 v4, v3;
	v12 =	vadd.f32 v12, v32;
	v34 =	vpop (erf)  }
0xe6: {  	v36 =	vmul.f32 $1.442695020e+00, v33;
	(erf) = vpow2.f32 v7;
	v1 =	vadd.f32 v1, v34  }
0xe7: {  	v8 =	vsub.f32 v8, v3;
	v40 =	vadd.f32 v12, v38;
	v37 =	vpop (erf)  }
0xe8: {  	v2 =	vmul.f32 $1.442695020e+00, v35;
	(erf) = vpow2.f32 v36;
	v1 =	vadd.f32 v1, v37  }
0xe9: {  	v41 =	vsel vm7, $0x0, v0;
	v42 =	vsub.f32 v21, v3;
	v43 =	vmul.f32 $1.442695020e+00, v8;
	v39 =	vpop (erf)  }
0xea: {  	v0 =	vadd.f32 v40, v41;
	(erf) = vpow2.f32 v2;
	v1 =	vadd.f32 v1, v39  }
0xeb: {  	v6 =	vsub.f32 v6, v3;
	v45 =	vmul.f32 $1.442695020e+00, v42;
	v44 =	vpop (erf)  }
0xec: {  	(xrf2) =	vadd.scan.msk.f32 $0xffff, v13;
	v0 =	vadd.f32 v0, v0;
	(erf) = vpow2.f32 v43;
	v1 =	vadd.f32 v1, v44  }
0xed: {  	v46 =	vsub.f32 v9, v3;
	v47 =	vpop (erf)  }
0xee: {  	v6 =	vmul.f32 $1.442695020e+00, v6;
	(xrf2) =	vadd.scan.msk.f32 $0xffff, v0;
	(erf) = vpow2.f32 v45;
	v1 =	vadd.f32 v1, v47  }
0xef: {  	v48 =	vsub.f32 v14, v3;
	v49 =	vpop (erf)  }
0xf0: {  	v4 =	vmul.f32 $1.442695020e+00, v46;
	(erf) = vpow2.f32 v6;
	v1 =	vadd.f32 v1, v49  }
0xf1: {  	v3 =	vsub.f32 v5, v3;
	v50 =	vpop (erf)  }
0xf2: {  	v2 =	vmul.f32 $1.442695020e+00, v48;
	(erf) = vpow2.f32 v4;
	v1 =	vadd.f32 v1, v50  }
0xf3: {  	v51 =	vpop (erf)  }
0xf4: {  	v3 =	vmul.f32 $1.442695020e+00, v3;
	(erf) = vpow2.f32 v2;
	v1 =	vadd.f32 v1, v51  }
0xf5: {  	(v2sf) =	vpush v30, $0xF;
	v52 =	vpop (erf)  }
0xf6: {  	v53, _, _ =	vpop (xrf2);
	(erf) = vpow2.f32 v3;
	v1 =	vadd.f32 v1, v52  }
0xf7: {  	(v2sf) =	vpush v53, $0xF;
	v54 =	vpop (erf)  }
0xf8: {  	v55, _, _ =	vpop (xrf2);
	v1 =	vadd.f32 v1, v54  }
0xf9: {  	(v2sf) =	vpush v55, $0xF;
	v56 =	vpop (erf)  }
0xfa: {  	v1 =	vadd.f32 v1, v56  }
0xfb: {  	v57 =	vpop (erf)  }
0xfc: {  	v1 =	vadd.f32 v1, v57  }
0xfd: {  	v58 =	vadd.f32 v11, v10;
	v59 =	vpop (erf)  }
0xfe: {  	v1 =	vadd.f32 v1, v59  }
0xff: {  	v2 =	vadd.f32 v13, v58;
	v60 =	vpop (erf)  }
0x100: {  	v1 =	vadd.f32 v1, v60  }
0x101: {  	v0 =	vadd.f32 v0, v2  }
0x102: {  	(xrf2) =	vadd.scan.msk.f32 $0xffff, v1  }
0x103: {  	p0 =	sgt.f32 s10, $0.0e+00;
	(xrf2) =	vadd.scan.msk.f32 $0xffff, v0  }
0x104: {  	s7 =	simm.f32 $1.000000000e+00;
	s6 =	spop (v2sf)  }
0x105: {  	s7 =	simm.s32 @!p0 $0x0;
	p0 =	sgt.f32 s6, $0.0e+00  }
0x106: {  	s5 =	sadd.f32 s7, s5;
	s7 =	simm.f32 $1.000000000e+00;
	s26 =	spop (v2sf)  }
0x107: {  	s7 =	simm.s32 @!p0 $0x0;
	p0 =	sgt.f32 s26, $0.0e+00  }
0x108: {  	s6 =	simm.f32 $1.000000000e+00;
	s5 =	sadd.f32 s7, s5;
	s28 =	spop (v2sf)  }
0x109: {  	s6 =	simm.s32 @!p0 $0x0;
	p0 =	sgt.f32 s28, $0.0e+00  }
0x10a: {  	s5 =	sadd.f32 s6, s5  }
0x10b: {  	s4 =	simm.s32 @!p0 $0x0  }
0x10c: {  	s4 =	sadd.f32 s4, s5;
	v61, _, _ =	vpop (xrf2)  }
0x10d: {  	v62, _, _ =	vpop (xrf2)  }
0x10e: {  	vm13 =	vcmask $0xB08;
	v63 =	vmov s4;
	v1 =	vbroadcast v62, $0xF  }
0x10f: {  	vm14 =	vcmask $0x704;
	v2 =	vnsel vm13, $0x0, v63;
	v0 =	vbroadcast v61, $0xF  }
0x110: {  	vm15 =	vcmask $0x3F04;
	v1 =	vsel vm14, v1, v2  }
0x111: {  	s2 =	sadd.s32 s3, s2;
	v0 =	vsel vm15, v1, v0  }
0x112: {  	s29 =	simm.s32 $0x0;
	s30 =	simm.s32 $0x1100;
	s31 =	simm.s32 $0x1;
	[tilespmem:$0x1100] =	vst v0  }
0x113: {  	[hbm4b:s2+s29] =	stream.linear.scatter [tilespmem:s30], [sflag:$0x1], $0x80, $0x38;
	[tilespmem:$0x1180] =	vst v63  }
0x114: {  	_ =	swait.ge [sflag:s31], $0x80  }
0x115: {  	[sflag:s31] =	ssyncset.done $0x0  }
0x116: {  	[sflag:s31] =	ssyncadd.s32 $0xFFFFFF80  }
0x117: {  	_ =	sfence.sel $0x180000  }
0x118: {  	[bflag:$0x0] =	sbarrier.arrive $0xFFFF  }
0x119: {  	p0 =	sne.s32 s1, $0x0;
	_ =	strace $0x90000047  }
0x11a: {  	s0 =	sadd.s32 @!p0 $0x100000, s0;
	[bflag:$0x2] =	sbarrier.arrive $0xFFFF  }
0x11b: {  	[sflag:s0] =	ssyncadd.tile.s32 @!p0 $0x1;
	_ =	shalt  }
.Lfunc_end2:
_tile_overlayer_lowered:
.L_overlay_start_2:
0x11c: {  	(tag) =	ssettag $0x2  }
0x11d: {  	s0 =	rddreg [dreg:$0x0];
	s2 =	stileid.u32  }
0x11e: {  	s1 =	rddreg [dreg:$0x1];
	p0 =	sne.s32 s2, $0x0  }
0x11f: {  	s3 =	rddreg [dreg:$0x2];
	[bflag:$0x3] =	sbarrier.arrive $0xFFFF;
	s2 =	simm.s32 @!p0 $0x1C01  }
0x120: {  	[timem:s3], [sflag:s2] =	dma.local @!p0 [hbm:s0], s1  }
0x121: {  	s0 =	simm.s32 @!p0 $0x1  }
0x122: {  	_ =	swait.ge @!p0 [sflag:s0], s1  }
0x123: {  	s1 =	ssub.s32 @!p0 $0x0, s1;
	[sflag:s0] =	ssyncset.done @!p0 $0x0  }
0x124: {  	[sflag:s0] =	ssyncadd.s32 @!p0 s1  }
0x125: {  	[bflag:$0x3] =	sbarrier.arrive $0xFFFF  }
0x126: {  	_ =	shalt  }

</sc_bundles>
